<compile_context>
chip_gen: v7x
topology: tpu7x:2x2x1
jax: 0.10.2.dev20260603
libtpu: 0.0.44.dev20260713+nightly
codegen_flags: <defaults>
</compile_context>

<pallas_src>
import functools

import jax
import jax.numpy as jnp
from jax import lax
from jax.experimental import pallas as pl
from jax.experimental.pallas import tpu as pltpu
from jax.experimental.pallas import tpu_sc as plsc


def _build_gather(bsz, seq, d):
    info = plsc.get_sparse_core_info()
    nc, ns = info.num_cores, info.num_subcores
    nw = nc * ns
    n_rows = bsz * seq
    rows_per_w = n_rows // nw
    w_per_b = seq // rows_per_w
    chunks = [8, 56, 56, 56, 56, 24]
    assert sum(chunks) == rows_per_w
    max_chunk = max(chunks)
    n_chunks = len(chunks)
    offs = [sum(chunks[:i]) for i in range(n_chunks)]

    mesh = plsc.VectorSubcoreMesh(core_axis_name="c", subcore_axis_name="s")

    nbuf = 2

    @functools.partial(
        pl.kernel,
        mesh=mesh,
        out_type=jax.ShapeDtypeStruct((bsz, seq, d), jnp.float32),
        scratch_types=(
            [pltpu.VMEM((rows_per_w,), jnp.int32)]
            + [pltpu.VMEM((max_chunk, d), jnp.float32) for _ in range(nbuf)]
            + [pltpu.SemaphoreType.DMA for _ in range(2 * nbuf)]
        ),
    )
    def gather_kernel(idx_hbm, table_hbm, out_hbm, idx_v, *scratch):
        bufs = scratch[:nbuf]
        gsems = scratch[nbuf:2 * nbuf]
        osems = scratch[2 * nbuf:]
        wid = lax.axis_index("s") * nc + lax.axis_index("c")
        b = wid // w_per_b
        soff = (wid % w_per_b) * rows_per_w
        half = 128
        pltpu.sync_copy(idx_hbm.at[b, pl.ds(soff, half)],
                        idx_v.at[pl.ds(0, half)])

        def start_gather(c):
            buf = bufs[c % nbuf]
            return pltpu.async_copy(
                table_hbm.at[idx_v.at[pl.ds(offs[c], chunks[c])]],
                buf.at[pl.ds(0, chunks[c])], gsems[c % nbuf])

        gather = [None] * n_chunks
        out = [None] * n_chunks
        gather[0] = start_gather(0)
        pltpu.sync_copy(idx_hbm.at[b, pl.ds(soff + half, rows_per_w - half)],
                        idx_v.at[pl.ds(half, rows_per_w - half)])
        for c in range(1, min(nbuf, n_chunks)):
            gather[c] = start_gather(c)
        assert offs[min(nbuf, n_chunks) - 1] + chunks[min(nbuf, n_chunks) - 1] <= half
        for c in range(n_chunks):
            if c >= 1 and (c - 1) + nbuf < n_chunks:
                out[c - 1].wait()
                gather[(c - 1) + nbuf] = start_gather((c - 1) + nbuf)
            gather[c].wait()
            out[c] = pltpu.async_copy(
                bufs[c % nbuf].at[pl.ds(0, chunks[c])],
                out_hbm.at[b, pl.ds(soff + offs[c], chunks[c])],
                osems[c % nbuf])
        for c in range(max(0, n_chunks - nbuf), n_chunks):
            out[c].wait()

    return gather_kernel


def kernel(token_ids, table):
    bsz, seq = token_ids.shape
    d = table.shape[1]
    gather_fn = _build_gather(bsz, seq, d)
    return gather_fn(token_ids.astype(jnp.int32), table)

# --- scband reference (transcript-rebuilt; emitter-appended) ---
"""Pipeline reference for scband-text-embedding-31903017074744 (READ-ONLY COPY).

The authoritative reference and input builder live on the scoring server;
editing this copy changes nothing except your own understanding.
"""

import jax, jax.numpy as jnp
import numpy as np

VOCAB = 100000
D_MODEL = 1024
BATCH = 4
SEQ = 2048


def setup_inputs(seed: int = 0) -> dict:
    key = jax.random.key(seed)
    k_ids, k_tab = jax.random.split(key)
    token_ids = jax.random.randint(k_ids, (BATCH, SEQ), 0, VOCAB)
    # learned token embedding table, init std=0.02 as in the torch module
    table = jax.random.normal(k_tab, (VOCAB, D_MODEL), dtype=jnp.float32) * 0.02
    return {"token_ids": token_ids, "table": table}


def reference(token_ids, table):
    # TextEmbedding.forward with spans=None, return_span_emb=False:
    #   token_emb = Embedding(token_ids); dropout (identity in eval mode)
    token_emb = jnp.take(table, token_ids, axis=0)  # (batch, seq, d_model)
    return token_emb

if __name__ == "__main__":
    import jax
    _d = setup_inputs()
    print(jax.jit(kernel)(*tuple(_d.values())))

</pallas_src>

<mosaic_0001>
#map = affine_map<(d0, d1) -> (0, 0)>
#map1 = affine_map<(d0, d1) -> (0, 0, 0)>
module attributes {stable_mosaic.version = 14 : i64} {
  func.func @gather_kernel(%arg0: i32, %arg1: i32, %arg2: memref<4x2048xi32, #tpu.memory_space<hbm>>, %arg3: memref<100000x1024xf32, #tpu.memory_space<hbm>>, %arg4: memref<4x2048x1024xf32, #tpu.memory_space<hbm>>, %arg5: memref<256xi32, #tpu.memory_space<vmem>>, %arg6: memref<56x1024xf32, #tpu.memory_space<vmem>>, %arg7: memref<56x1024xf32, #tpu.memory_space<vmem>>, %arg8: memref<!tpu.dma_semaphore, #tpu.memory_space<semaphore_mem>>, %arg9: memref<!tpu.dma_semaphore, #tpu.memory_space<semaphore_mem>>, %arg10: memref<!tpu.dma_semaphore, #tpu.memory_space<semaphore_mem>>, %arg11: memref<!tpu.dma_semaphore, #tpu.memory_space<semaphore_mem>>) attributes {dimension_semantics = [#tpu.dimension_semantics<core_parallel>, #tpu.dimension_semantics<subcore_parallel>], iteration_bounds = array<i64: 2, 16>, scalar_prefetch = 0 : i64, scratch_operands = 7 : i64, tpu.core_type = #tpu.core_type<sc_vector_subcore>, window_params = [{transform_indices = #map}, {transform_indices = #map}, {transform_indices = #map1}]} {
    %mul3A = arith.constant 2 : i32
    %mul3A_0 = arith.muli %arg1, %mul3A : i32
    %add3A = arith.addi %mul3A_0, %arg0 : i32
    %jit3A = arith.constant 8 : i32
    %div3A = arith.divsi %add3A, %jit3A : i32
    %sign3A = arith.constant 0 : i32
    %sign3A_1 = arith.cmpi sgt, %add3A, %sign3A : i32
    %sign3A_2 = arith.extui %sign3A_1 : i1 to i32
    %sign3A_3 = arith.constant 0 : i32
    %sign3A_4 = arith.cmpi slt, %add3A, %sign3A_3 : i32
    %sign3A_5 = arith.extui %sign3A_4 : i1 to i32
    %sign3A_6 = arith.subi %sign3A_2, %sign3A_5 : i32
    %sign3A_7 = arith.constant 0 : i32
    %sign3A_8 = arith.cmpi sgt, %jit3A, %sign3A_7 : i32
    %sign3A_9 = arith.extui %sign3A_8 : i1 to i32
    %sign3A_10 = arith.constant 0 : i32
    %sign3A_11 = arith.cmpi slt, %jit3A, %sign3A_10 : i32
    %sign3A_12 = arith.extui %sign3A_11 : i1 to i32
    %sign3A_13 = arith.subi %sign3A_9, %sign3A_12 : i32
    %ne3A = arith.cmpi ne, %sign3A_6, %sign3A_13 : i32
    %rem3A = arith.remsi %add3A, %jit3A : i32
    %ne3A_14 = arith.constant 0 : i32
    %ne3A_15 = arith.cmpi ne, %rem3A, %ne3A_14 : i32
    %and3A = arith.andi %ne3A, %ne3A_15 : i1
    %sub3A = arith.constant 1 : i32
    %sub3A_16 = arith.subi %div3A, %sub3A : i32
    %select_n3A = arith.select %and3A, %sub3A_16, %div3A : i32
    %jit3A_17 = arith.constant 8 : i32
    %eq3A = arith.constant 0 : i32
    %eq3A_18 = arith.cmpi eq, %jit3A_17, %eq3A : i32
    %jit3A_19 = arith.constant 1 : i32
    %select_n3A_20 = arith.select %eq3A_18, %jit3A_19, %jit3A_17 : i32
    %rem3A_21 = arith.remsi %add3A, %select_n3A_20 : i32
    %ne3A_22 = arith.constant 0 : i32
    %ne3A_23 = arith.cmpi ne, %rem3A_21, %ne3A_22 : i32
    %lt3A = arith.constant 0 : i32
    %lt3A_24 = arith.cmpi slt, %rem3A_21, %lt3A : i32
    %lt3A_25 = arith.constant 0 : i32
    %lt3A_26 = arith.cmpi slt, %select_n3A_20, %lt3A_25 : i32
    %ne3A_27 = arith.xori %lt3A_24, %lt3A_26 : i1
    %and3A_28 = arith.andi %ne3A_27, %ne3A_23 : i1
    %add3A_29 = arith.addi %rem3A_21, %select_n3A_20 : i32
    %select_n3A_30 = arith.select %and3A_28, %add3A_29, %rem3A_21 : i32
    %mul3A_31 = arith.constant 256 : i32
    %mul3A_32 = arith.muli %select_n3A_30, %mul3A_31 : i32
    "tpu.region"() ({
      %run_scoped3A = tpu.sem_alloc : memref<!tpu.dma_semaphore, #tpu.memory_space<semaphore_mem>>
      %dma_start3A_285 = arith.constant 0 : i32
      %dma_start3A_286 = tpu.memref_slice %arg5[%dma_start3A_285] : memref<256xi32, #tpu.memory_space<vmem>> -> memref<128xi32, #tpu.memory_space<vmem>>
      %dma_start3A_287 = tpu.memref_slice %arg2[%select_n3A, %mul3A_32] : memref<4x2048xi32, #tpu.memory_space<hbm>> -> memref<1x128xi32, #tpu.memory_space<hbm>>
      %dma_start3A_288 = tpu.memref_squeeze %dma_start3A_287 : memref<1x128xi32, #tpu.memory_space<hbm>> -> memref<128xi32, #tpu.memory_space<hbm>>
      %dma_start3A_289 = arith.constant 0 : i32
      %dma_start3A_290 = tpu.memref_slice %arg5[%dma_start3A_289] : memref<256xi32, #tpu.memory_space<vmem>> -> memref<128xi32, #tpu.memory_space<vmem>>
      %dma_start3A_291 = tpu.memref_slice %arg2[%select_n3A, %mul3A_32] : memref<4x2048xi32, #tpu.memory_space<hbm>> -> memref<1x128xi32, #tpu.memory_space<hbm>>
      %dma_start3A_292 = tpu.memref_squeeze %dma_start3A_291 : memref<1x128xi32, #tpu.memory_space<hbm>> -> memref<128xi32, #tpu.memory_space<hbm>>
      tpu.enqueue_dma source(%dma_start3A_292 : memref<128xi32, #tpu.memory_space<hbm>>) target(%dma_start3A_290 : memref<128xi32, #tpu.memory_space<vmem>>) target_semaphore(%run_scoped3A : memref<!tpu.dma_semaphore, #tpu.memory_space<semaphore_mem>>)
      %dma_wait3A_293 = arith.constant 0 : i32
      %dma_wait3A_294 = tpu.memref_slice %arg5[%dma_wait3A_293] : memref<256xi32, #tpu.memory_space<vmem>> -> memref<128xi32, #tpu.memory_space<vmem>>
      %dma_wait3A_295 = tpu.memref_slice %arg2[%select_n3A, %mul3A_32] : memref<4x2048xi32, #tpu.memory_space<hbm>> -> memref<1x128xi32, #tpu.memory_space<hbm>>
      %dma_wait3A_296 = tpu.memref_squeeze %dma_wait3A_295 : memref<1x128xi32, #tpu.memory_space<hbm>> -> memref<128xi32, #tpu.memory_space<hbm>>
      %dma_wait3A_297 = arith.constant 0 : i32
      %dma_wait3A_298 = tpu.memref_slice %arg5[%dma_wait3A_297] : memref<256xi32, #tpu.memory_space<vmem>> -> memref<128xi32, #tpu.memory_space<vmem>>
      %dma_wait3A_299 = tpu.memref_slice %arg2[%select_n3A, %mul3A_32] : memref<4x2048xi32, #tpu.memory_space<hbm>> -> memref<1x128xi32, #tpu.memory_space<hbm>>
      %dma_wait3A_300 = tpu.memref_squeeze %dma_wait3A_299 : memref<1x128xi32, #tpu.memory_space<hbm>> -> memref<128xi32, #tpu.memory_space<hbm>>
      tpu.wait_dma2 semaphore(%run_scoped3A : memref<!tpu.dma_semaphore, #tpu.memory_space<semaphore_mem>>) src(%dma_wait3A_300 : memref<128xi32, #tpu.memory_space<hbm>>) dst(%dma_wait3A_298 : memref<128xi32, #tpu.memory_space<vmem>>)
      tpu.yield
    }) : () -> ()
    %dma_start3A = arith.constant 0 : i32
    %dma_start3A_33 = arith.constant 0 : i32
    %dma_start3A_34 = tpu.memref_slice %arg6[%dma_start3A, %dma_start3A_33] : memref<56x1024xf32, #tpu.memory_space<vmem>> -> memref<8x1024xf32, #tpu.memory_space<vmem>>
    %dma_start3A_35 = arith.constant 0 : i32
    %dma_start3A_36 = tpu.memref_slice %arg5[%dma_start3A_35] : memref<256xi32, #tpu.memory_space<vmem>> -> memref<8xi32, #tpu.memory_space<vmem>>
    %dma_start3A_37 = arith.constant 0 : i32
    %dma_start3A_38 = arith.constant 0 : i32
    %dma_start3A_39 = tpu.memref_slice %arg3[%dma_start3A_37, %dma_start3A_38] : memref<100000x1024xf32, #tpu.memory_space<hbm>> -> memref<100000x1024xf32, #tpu.memory_space<hbm>>
    tpu.enqueue_indirect_dma source(%dma_start3A_39 : memref<100000x1024xf32, #tpu.memory_space<hbm>>) target(%dma_start3A_34 : memref<8x1024xf32, #tpu.memory_space<vmem>>) offsets(%dma_start3A_36 : memref<8xi32, #tpu.memory_space<vmem>>) semaphore(%arg8 : memref<!tpu.dma_semaphore, #tpu.memory_space<semaphore_mem>>)
    %add3A_40 = arith.constant 128 : i32
    %add3A_41 = arith.addi %mul3A_32, %add3A_40 : i32
    "tpu.region"() ({
      %run_scoped3A = tpu.sem_alloc : memref<!tpu.dma_semaphore, #tpu.memory_space<semaphore_mem>>
      %dma_start3A_285 = arith.constant 128 : i32
      %dma_start3A_286 = tpu.memref_slice %arg5[%dma_start3A_285] : memref<256xi32, #tpu.memory_space<vmem>> -> memref<128xi32, #tpu.memory_space<vmem>>
      %dma_start3A_287 = tpu.memref_slice %arg2[%select_n3A, %add3A_41] : memref<4x2048xi32, #tpu.memory_space<hbm>> -> memref<1x128xi32, #tpu.memory_space<hbm>>
      %dma_start3A_288 = tpu.memref_squeeze %dma_start3A_287 : memref<1x128xi32, #tpu.memory_space<hbm>> -> memref<128xi32, #tpu.memory_space<hbm>>
      %dma_start3A_289 = arith.constant 128 : i32
      %dma_start3A_290 = tpu.memref_slice %arg5[%dma_start3A_289] : memref<256xi32, #tpu.memory_space<vmem>> -> memref<128xi32, #tpu.memory_space<vmem>>
      %dma_start3A_291 = tpu.memref_slice %arg2[%select_n3A, %add3A_41] : memref<4x2048xi32, #tpu.memory_space<hbm>> -> memref<1x128xi32, #tpu.memory_space<hbm>>
      %dma_start3A_292 = tpu.memref_squeeze %dma_start3A_291 : memref<1x128xi32, #tpu.memory_space<hbm>> -> memref<128xi32, #tpu.memory_space<hbm>>
      tpu.enqueue_dma source(%dma_start3A_292 : memref<128xi32, #tpu.memory_space<hbm>>) target(%dma_start3A_290 : memref<128xi32, #tpu.memory_space<vmem>>) target_semaphore(%run_scoped3A : memref<!tpu.dma_semaphore, #tpu.memory_space<semaphore_mem>>)
      %dma_wait3A_293 = arith.constant 128 : i32
      %dma_wait3A_294 = tpu.memref_slice %arg5[%dma_wait3A_293] : memref<256xi32, #tpu.memory_space<vmem>> -> memref<128xi32, #tpu.memory_space<vmem>>
      %dma_wait3A_295 = tpu.memref_slice %arg2[%select_n3A, %add3A_41] : memref<4x2048xi32, #tpu.memory_space<hbm>> -> memref<1x128xi32, #tpu.memory_space<hbm>>
      %dma_wait3A_296 = tpu.memref_squeeze %dma_wait3A_295 : memref<1x128xi32, #tpu.memory_space<hbm>> -> memref<128xi32, #tpu.memory_space<hbm>>
      %dma_wait3A_297 = arith.constant 128 : i32
      %dma_wait3A_298 = tpu.memref_slice %arg5[%dma_wait3A_297] : memref<256xi32, #tpu.memory_space<vmem>> -> memref<128xi32, #tpu.memory_space<vmem>>
      %dma_wait3A_299 = tpu.memref_slice %arg2[%select_n3A, %add3A_41] : memref<4x2048xi32, #tpu.memory_space<hbm>> -> memref<1x128xi32, #tpu.memory_space<hbm>>
      %dma_wait3A_300 = tpu.memref_squeeze %dma_wait3A_299 : memref<1x128xi32, #tpu.memory_space<hbm>> -> memref<128xi32, #tpu.memory_space<hbm>>
      tpu.wait_dma2 semaphore(%run_scoped3A : memref<!tpu.dma_semaphore, #tpu.memory_space<semaphore_mem>>) src(%dma_wait3A_300 : memref<128xi32, #tpu.memory_space<hbm>>) dst(%dma_wait3A_298 : memref<128xi32, #tpu.memory_space<vmem>>)
      tpu.yield
    }) : () -> ()
    %dma_start3A_42 = arith.constant 0 : i32
    %dma_start3A_43 = arith.constant 0 : i32
    %dma_start3A_44 = tpu.memref_slice %arg7[%dma_start3A_42, %dma_start3A_43] : memref<56x1024xf32, #tpu.memory_space<vmem>> -> memref<56x1024xf32, #tpu.memory_space<vmem>>
    %dma_start3A_45 = arith.constant 8 : i32
    %dma_start3A_46 = tpu.memref_slice %arg5[%dma_start3A_45] : memref<256xi32, #tpu.memory_space<vmem>> -> memref<56xi32, #tpu.memory_space<vmem>>
    %dma_start3A_47 = arith.constant 0 : i32
    %dma_start3A_48 = arith.constant 0 : i32
    %dma_start3A_49 = tpu.memref_slice %arg3[%dma_start3A_47, %dma_start3A_48] : memref<100000x1024xf32, #tpu.memory_space<hbm>> -> memref<100000x1024xf32, #tpu.memory_space<hbm>>
    tpu.enqueue_indirect_dma source(%dma_start3A_49 : memref<100000x1024xf32, #tpu.memory_space<hbm>>) target(%dma_start3A_44 : memref<56x1024xf32, #tpu.memory_space<vmem>>) offsets(%dma_start3A_46 : memref<56xi32, #tpu.memory_space<vmem>>) semaphore(%arg9 : memref<!tpu.dma_semaphore, #tpu.memory_space<semaphore_mem>>)
    %dma_wait3A = arith.constant 0 : i32
    %dma_wait3A_50 = arith.constant 0 : i32
    %dma_wait3A_51 = tpu.memref_slice %arg6[%dma_wait3A, %dma_wait3A_50] : memref<56x1024xf32, #tpu.memory_space<vmem>> -> memref<8x1024xf32, #tpu.memory_space<vmem>>
    %dma_wait3A_52 = arith.constant 0 : i32
    %dma_wait3A_53 = tpu.memref_slice %arg5[%dma_wait3A_52] : memref<256xi32, #tpu.memory_space<vmem>> -> memref<8xi32, #tpu.memory_space<vmem>>
    %dma_wait3A_54 = arith.constant 0 : i32
    %dma_wait3A_55 = arith.constant 0 : i32
    %dma_wait3A_56 = tpu.memref_slice %arg3[%dma_wait3A_54, %dma_wait3A_55] : memref<100000x1024xf32, #tpu.memory_space<hbm>> -> memref<100000x1024xf32, #tpu.memory_space<hbm>>
    tpu.wait_indirect_dma semaphore(%arg8 : memref<!tpu.dma_semaphore, #tpu.memory_space<semaphore_mem>>) src(%dma_wait3A_56 : memref<100000x1024xf32, #tpu.memory_space<hbm>>) dst(%dma_wait3A_51 : memref<8x1024xf32, #tpu.memory_space<vmem>>)
    %add3A_57 = arith.constant 0 : i32
    %add3A_58 = arith.addi %mul3A_32, %add3A_57 : i32
    %dma_start3A_59 = arith.constant 0 : i32
    %dma_start3A_60 = arith.constant 0 : i32
    %dma_start3A_61 = tpu.memref_slice %arg6[%dma_start3A_59, %dma_start3A_60] : memref<56x1024xf32, #tpu.memory_space<vmem>> -> memref<8x1024xf32, #tpu.memory_space<vmem>>
    %dma_start3A_62 = arith.constant 0 : i32
    %dma_start3A_63 = tpu.memref_slice %arg4[%select_n3A, %add3A_58, %dma_start3A_62] : memref<4x2048x1024xf32, #tpu.memory_space<hbm>> -> memref<1x8x1024xf32, #tpu.memory_space<hbm>>
    %dma_start3A_64 = tpu.memref_squeeze %dma_start3A_63 : memref<1x8x1024xf32, #tpu.memory_space<hbm>> -> memref<8x1024xf32, #tpu.memory_space<hbm>>
    %dma_start3A_65 = arith.constant 0 : i32
    %dma_start3A_66 = tpu.memref_slice %arg4[%select_n3A, %add3A_58, %dma_start3A_65] : memref<4x2048x1024xf32, #tpu.memory_space<hbm>> -> memref<1x8x1024xf32, #tpu.memory_space<hbm>>
    %dma_start3A_67 = tpu.memref_squeeze %dma_start3A_66 : memref<1x8x1024xf32, #tpu.memory_space<hbm>> -> memref<8x1024xf32, #tpu.memory_space<hbm>>
    %dma_start3A_68 = arith.constant 0 : i32
    %dma_start3A_69 = arith.constant 0 : i32
    %dma_start3A_70 = tpu.memref_slice %arg6[%dma_start3A_68, %dma_start3A_69] : memref<56x1024xf32, #tpu.memory_space<vmem>> -> memref<8x1024xf32, #tpu.memory_space<vmem>>
    tpu.enqueue_dma source(%dma_start3A_70 : memref<8x1024xf32, #tpu.memory_space<vmem>>) target(%dma_start3A_67 : memref<8x1024xf32, #tpu.memory_space<hbm>>) target_semaphore(%arg10 : memref<!tpu.dma_semaphore, #tpu.memory_space<semaphore_mem>>)
    %dma_wait3A_71 = arith.constant 0 : i32
    %dma_wait3A_72 = arith.constant 0 : i32
    %dma_wait3A_73 = tpu.memref_slice %arg6[%dma_wait3A_71, %dma_wait3A_72] : memref<56x1024xf32, #tpu.memory_space<vmem>> -> memref<8x1024xf32, #tpu.memory_space<vmem>>
    %dma_wait3A_74 = arith.constant 0 : i32
    %dma_wait3A_75 = tpu.memref_slice %arg4[%select_n3A, %add3A_58, %dma_wait3A_74] : memref<4x2048x1024xf32, #tpu.memory_space<hbm>> -> memref<1x8x1024xf32, #tpu.memory_space<hbm>>
    %dma_wait3A_76 = tpu.memref_squeeze %dma_wait3A_75 : memref<1x8x1024xf32, #tpu.memory_space<hbm>> -> memref<8x1024xf32, #tpu.memory_space<hbm>>
    %dma_wait3A_77 = arith.constant 0 : i32
    %dma_wait3A_78 = tpu.memref_slice %arg4[%select_n3A, %add3A_58, %dma_wait3A_77] : memref<4x2048x1024xf32, #tpu.memory_space<hbm>> -> memref<1x8x1024xf32, #tpu.memory_space<hbm>>
    %dma_wait3A_79 = tpu.memref_squeeze %dma_wait3A_78 : memref<1x8x1024xf32, #tpu.memory_space<hbm>> -> memref<8x1024xf32, #tpu.memory_space<hbm>>
    %dma_wait3A_80 = arith.constant 0 : i32
    %dma_wait3A_81 = arith.constant 0 : i32
    %dma_wait3A_82 = tpu.memref_slice %arg6[%dma_wait3A_80, %dma_wait3A_81] : memref<56x1024xf32, #tpu.memory_space<vmem>> -> memref<8x1024xf32, #tpu.memory_space<vmem>>
    tpu.wait_dma2 semaphore(%arg10 : memref<!tpu.dma_semaphore, #tpu.memory_space<semaphore_mem>>) src(%dma_wait3A_82 : memref<8x1024xf32, #tpu.memory_space<vmem>>) dst(%dma_wait3A_79 : memref<8x1024xf32, #tpu.memory_space<hbm>>)
    %dma_start3A_83 = arith.constant 0 : i32
    %dma_start3A_84 = arith.constant 0 : i32
    %dma_start3A_85 = tpu.memref_slice %arg6[%dma_start3A_83, %dma_start3A_84] : memref<56x1024xf32, #tpu.memory_space<vmem>> -> memref<56x1024xf32, #tpu.memory_space<vmem>>
    %dma_start3A_86 = arith.constant 64 : i32
    %dma_start3A_87 = tpu.memref_slice %arg5[%dma_start3A_86] : memref<256xi32, #tpu.memory_space<vmem>> -> memref<56xi32, #tpu.memory_space<vmem>>
    %dma_start3A_88 = arith.constant 0 : i32
    %dma_start3A_89 = arith.constant 0 : i32
    %dma_start3A_90 = tpu.memref_slice %arg3[%dma_start3A_88, %dma_start3A_89] : memref<100000x1024xf32, #tpu.memory_space<hbm>> -> memref<100000x1024xf32, #tpu.memory_space<hbm>>
    tpu.enqueue_indirect_dma source(%dma_start3A_90 : memref<100000x1024xf32, #tpu.memory_space<hbm>>) target(%dma_start3A_85 : memref<56x1024xf32, #tpu.memory_space<vmem>>) offsets(%dma_start3A_87 : memref<56xi32, #tpu.memory_space<vmem>>) semaphore(%arg8 : memref<!tpu.dma_semaphore, #tpu.memory_space<semaphore_mem>>)
    %dma_wait3A_91 = arith.constant 0 : i32
    %dma_wait3A_92 = arith.constant 0 : i32
    %dma_wait3A_93 = tpu.memref_slice %arg7[%dma_wait3A_91, %dma_wait3A_92] : memref<56x1024xf32, #tpu.memory_space<vmem>> -> memref<56x1024xf32, #tpu.memory_space<vmem>>
    %dma_wait3A_94 = arith.constant 8 : i32
    %dma_wait3A_95 = tpu.memref_slice %arg5[%dma_wait3A_94] : memref<256xi32, #tpu.memory_space<vmem>> -> memref<56xi32, #tpu.memory_space<vmem>>
    %dma_wait3A_96 = arith.constant 0 : i32
    %dma_wait3A_97 = arith.constant 0 : i32
    %dma_wait3A_98 = tpu.memref_slice %arg3[%dma_wait3A_96, %dma_wait3A_97] : memref<100000x1024xf32, #tpu.memory_space<hbm>> -> memref<100000x1024xf32, #tpu.memory_space<hbm>>
    tpu.wait_indirect_dma semaphore(%arg9 : memref<!tpu.dma_semaphore, #tpu.memory_space<semaphore_mem>>) src(%dma_wait3A_98 : memref<100000x1024xf32, #tpu.memory_space<hbm>>) dst(%dma_wait3A_93 : memref<56x1024xf32, #tpu.memory_space<vmem>>)
    %add3A_99 = arith.constant 8 : i32
    %add3A_100 = arith.addi %mul3A_32, %add3A_99 : i32
    %dma_start3A_101 = arith.constant 0 : i32
    %dma_start3A_102 = arith.constant 0 : i32
    %dma_start3A_103 = tpu.memref_slice %arg7[%dma_start3A_101, %dma_start3A_102] : memref<56x1024xf32, #tpu.memory_space<vmem>> -> memref<56x1024xf32, #tpu.memory_space<vmem>>
    %dma_start3A_104 = arith.constant 0 : i32
    %dma_start3A_105 = tpu.memref_slice %arg4[%select_n3A, %add3A_100, %dma_start3A_104] : memref<4x2048x1024xf32, #tpu.memory_space<hbm>> -> memref<1x56x1024xf32, #tpu.memory_space<hbm>>
    %dma_start3A_106 = tpu.memref_squeeze %dma_start3A_105 : memref<1x56x1024xf32, #tpu.memory_space<hbm>> -> memref<56x1024xf32, #tpu.memory_space<hbm>>
    %dma_start3A_107 = arith.constant 0 : i32
    %dma_start3A_108 = tpu.memref_slice %arg4[%select_n3A, %add3A_100, %dma_start3A_107] : memref<4x2048x1024xf32, #tpu.memory_space<hbm>> -> memref<1x56x1024xf32, #tpu.memory_space<hbm>>
    %dma_start3A_109 = tpu.memref_squeeze %dma_start3A_108 : memref<1x56x1024xf32, #tpu.memory_space<hbm>> -> memref<56x1024xf32, #tpu.memory_space<hbm>>
    %dma_start3A_110 = arith.constant 0 : i32
    %dma_start3A_111 = arith.constant 0 : i32
    %dma_start3A_112 = tpu.memref_slice %arg7[%dma_start3A_110, %dma_start3A_111] : memref<56x1024xf32, #tpu.memory_space<vmem>> -> memref<56x1024xf32, #tpu.memory_space<vmem>>
    tpu.enqueue_dma source(%dma_start3A_112 : memref<56x1024xf32, #tpu.memory_space<vmem>>) target(%dma_start3A_109 : memref<56x1024xf32, #tpu.memory_space<hbm>>) target_semaphore(%arg11 : memref<!tpu.dma_semaphore, #tpu.memory_space<semaphore_mem>>)
    %dma_wait3A_113 = arith.constant 0 : i32
    %dma_wait3A_114 = arith.constant 0 : i32
    %dma_wait3A_115 = tpu.memref_slice %arg7[%dma_wait3A_113, %dma_wait3A_114] : memref<56x1024xf32, #tpu.memory_space<vmem>> -> memref<56x1024xf32, #tpu.memory_space<vmem>>
    %dma_wait3A_116 = arith.constant 0 : i32
    %dma_wait3A_117 = tpu.memref_slice %arg4[%select_n3A, %add3A_100, %dma_wait3A_116] : memref<4x2048x1024xf32, #tpu.memory_space<hbm>> -> memref<1x56x1024xf32, #tpu.memory_space<hbm>>
    %dma_wait3A_118 = tpu.memref_squeeze %dma_wait3A_117 : memref<1x56x1024xf32, #tpu.memory_space<hbm>> -> memref<56x1024xf32, #tpu.memory_space<hbm>>
    %dma_wait3A_119 = arith.constant 0 : i32
    %dma_wait3A_120 = tpu.memref_slice %arg4[%select_n3A, %add3A_100, %dma_wait3A_119] : memref<4x2048x1024xf32, #tpu.memory_space<hbm>> -> memref<1x56x1024xf32, #tpu.memory_space<hbm>>
    %dma_wait3A_121 = tpu.memref_squeeze %dma_wait3A_120 : memref<1x56x1024xf32, #tpu.memory_space<hbm>> -> memref<56x1024xf32, #tpu.memory_space<hbm>>
    %dma_wait3A_122 = arith.constant 0 : i32
    %dma_wait3A_123 = arith.constant 0 : i32
    %dma_wait3A_124 = tpu.memref_slice %arg7[%dma_wait3A_122, %dma_wait3A_123] : memref<56x1024xf32, #tpu.memory_space<vmem>> -> memref<56x1024xf32, #tpu.memory_space<vmem>>
    tpu.wait_dma2 semaphore(%arg11 : memref<!tpu.dma_semaphore, #tpu.memory_space<semaphore_mem>>) src(%dma_wait3A_124 : memref<56x1024xf32, #tpu.memory_space<vmem>>) dst(%dma_wait3A_121 : memref<56x1024xf32, #tpu.memory_space<hbm>>)
    %dma_start3A_125 = arith.constant 0 : i32
    %dma_start3A_126 = arith.constant 0 : i32
    %dma_start3A_127 = tpu.memref_slice %arg7[%dma_start3A_125, %dma_start3A_126] : memref<56x1024xf32, #tpu.memory_space<vmem>> -> memref<56x1024xf32, #tpu.memory_space<vmem>>
    %dma_start3A_128 = arith.constant 120 : i32
    %dma_start3A_129 = tpu.memref_slice %arg5[%dma_start3A_128] : memref<256xi32, #tpu.memory_space<vmem>> -> memref<56xi32, #tpu.memory_space<vmem>>
    %dma_start3A_130 = arith.constant 0 : i32
    %dma_start3A_131 = arith.constant 0 : i32
    %dma_start3A_132 = tpu.memref_slice %arg3[%dma_start3A_130, %dma_start3A_131] : memref<100000x1024xf32, #tpu.memory_space<hbm>> -> memref<100000x1024xf32, #tpu.memory_space<hbm>>
    tpu.enqueue_indirect_dma source(%dma_start3A_132 : memref<100000x1024xf32, #tpu.memory_space<hbm>>) target(%dma_start3A_127 : memref<56x1024xf32, #tpu.memory_space<vmem>>) offsets(%dma_start3A_129 : memref<56xi32, #tpu.memory_space<vmem>>) semaphore(%arg9 : memref<!tpu.dma_semaphore, #tpu.memory_space<semaphore_mem>>)
    %dma_wait3A_133 = arith.constant 0 : i32
    %dma_wait3A_134 = arith.constant 0 : i32
    %dma_wait3A_135 = tpu.memref_slice %arg6[%dma_wait3A_133, %dma_wait3A_134] : memref<56x1024xf32, #tpu.memory_space<vmem>> -> memref<56x1024xf32, #tpu.memory_space<vmem>>
    %dma_wait3A_136 = arith.constant 64 : i32
    %dma_wait3A_137 = tpu.memref_slice %arg5[%dma_wait3A_136] : memref<256xi32, #tpu.memory_space<vmem>> -> memref<56xi32, #tpu.memory_space<vmem>>
    %dma_wait3A_138 = arith.constant 0 : i32
    %dma_wait3A_139 = arith.constant 0 : i32
    %dma_wait3A_140 = tpu.memref_slice %arg3[%dma_wait3A_138, %dma_wait3A_139] : memref<100000x1024xf32, #tpu.memory_space<hbm>> -> memref<100000x1024xf32, #tpu.memory_space<hbm>>
    tpu.wait_indirect_dma semaphore(%arg8 : memref<!tpu.dma_semaphore, #tpu.memory_space<semaphore_mem>>) src(%dma_wait3A_140 : memref<100000x1024xf32, #tpu.memory_space<hbm>>) dst(%dma_wait3A_135 : memref<56x1024xf32, #tpu.memory_space<vmem>>)
    %add3A_141 = arith.constant 64 : i32
    %add3A_142 = arith.addi %mul3A_32, %add3A_141 : i32
    %dma_start3A_143 = arith.constant 0 : i32
    %dma_start3A_144 = arith.constant 0 : i32
    %dma_start3A_145 = tpu.memref_slice %arg6[%dma_start3A_143, %dma_start3A_144] : memref<56x1024xf32, #tpu.memory_space<vmem>> -> memref<56x1024xf32, #tpu.memory_space<vmem>>
    %dma_start3A_146 = arith.constant 0 : i32
    %dma_start3A_147 = tpu.memref_slice %arg4[%select_n3A, %add3A_142, %dma_start3A_146] : memref<4x2048x1024xf32, #tpu.memory_space<hbm>> -> memref<1x56x1024xf32, #tpu.memory_space<hbm>>
    %dma_start3A_148 = tpu.memref_squeeze %dma_start3A_147 : memref<1x56x1024xf32, #tpu.memory_space<hbm>> -> memref<56x1024xf32, #tpu.memory_space<hbm>>
    %dma_start3A_149 = arith.constant 0 : i32
    %dma_start3A_150 = tpu.memref_slice %arg4[%select_n3A, %add3A_142, %dma_start3A_149] : memref<4x2048x1024xf32, #tpu.memory_space<hbm>> -> memref<1x56x1024xf32, #tpu.memory_space<hbm>>
    %dma_start3A_151 = tpu.memref_squeeze %dma_start3A_150 : memref<1x56x1024xf32, #tpu.memory_space<hbm>> -> memref<56x1024xf32, #tpu.memory_space<hbm>>
    %dma_start3A_152 = arith.constant 0 : i32
    %dma_start3A_153 = arith.constant 0 : i32
    %dma_start3A_154 = tpu.memref_slice %arg6[%dma_start3A_152, %dma_start3A_153] : memref<56x1024xf32, #tpu.memory_space<vmem>> -> memref<56x1024xf32, #tpu.memory_space<vmem>>
    tpu.enqueue_dma source(%dma_start3A_154 : memref<56x1024xf32, #tpu.memory_space<vmem>>) target(%dma_start3A_151 : memref<56x1024xf32, #tpu.memory_space<hbm>>) target_semaphore(%arg10 : memref<!tpu.dma_semaphore, #tpu.memory_space<semaphore_mem>>)
    %dma_wait3A_155 = arith.constant 0 : i32
    %dma_wait3A_156 = arith.constant 0 : i32
    %dma_wait3A_157 = tpu.memref_slice %arg6[%dma_wait3A_155, %dma_wait3A_156] : memref<56x1024xf32, #tpu.memory_space<vmem>> -> memref<56x1024xf32, #tpu.memory_space<vmem>>
    %dma_wait3A_158 = arith.constant 0 : i32
    %dma_wait3A_159 = tpu.memref_slice %arg4[%select_n3A, %add3A_142, %dma_wait3A_158] : memref<4x2048x1024xf32, #tpu.memory_space<hbm>> -> memref<1x56x1024xf32, #tpu.memory_space<hbm>>
    %dma_wait3A_160 = tpu.memref_squeeze %dma_wait3A_159 : memref<1x56x1024xf32, #tpu.memory_space<hbm>> -> memref<56x1024xf32, #tpu.memory_space<hbm>>
    %dma_wait3A_161 = arith.constant 0 : i32
    %dma_wait3A_162 = tpu.memref_slice %arg4[%select_n3A, %add3A_142, %dma_wait3A_161] : memref<4x2048x1024xf32, #tpu.memory_space<hbm>> -> memref<1x56x1024xf32, #tpu.memory_space<hbm>>
    %dma_wait3A_163 = tpu.memref_squeeze %dma_wait3A_162 : memref<1x56x1024xf32, #tpu.memory_space<hbm>> -> memref<56x1024xf32, #tpu.memory_space<hbm>>
    %dma_wait3A_164 = arith.constant 0 : i32
    %dma_wait3A_165 = arith.constant 0 : i32
    %dma_wait3A_166 = tpu.memref_slice %arg6[%dma_wait3A_164, %dma_wait3A_165] : memref<56x1024xf32, #tpu.memory_space<vmem>> -> memref<56x1024xf32, #tpu.memory_space<vmem>>
    tpu.wait_dma2 semaphore(%arg10 : memref<!tpu.dma_semaphore, #tpu.memory_space<semaphore_mem>>) src(%dma_wait3A_166 : memref<56x1024xf32, #tpu.memory_space<vmem>>) dst(%dma_wait3A_163 : memref<56x1024xf32, #tpu.memory_space<hbm>>)
    %dma_start3A_167 = arith.constant 0 : i32
    %dma_start3A_168 = arith.constant 0 : i32
    %dma_start3A_169 = tpu.memref_slice %arg6[%dma_start3A_167, %dma_start3A_168] : memref<56x1024xf32, #tpu.memory_space<vmem>> -> memref<56x1024xf32, #tpu.memory_space<vmem>>
    %dma_start3A_170 = arith.constant 176 : i32
    %dma_start3A_171 = tpu.memref_slice %arg5[%dma_start3A_170] : memref<256xi32, #tpu.memory_space<vmem>> -> memref<56xi32, #tpu.memory_space<vmem>>
    %dma_start3A_172 = arith.constant 0 : i32
    %dma_start3A_173 = arith.constant 0 : i32
    %dma_start3A_174 = tpu.memref_slice %arg3[%dma_start3A_172, %dma_start3A_173] : memref<100000x1024xf32, #tpu.memory_space<hbm>> -> memref<100000x1024xf32, #tpu.memory_space<hbm>>
    tpu.enqueue_indirect_dma source(%dma_start3A_174 : memref<100000x1024xf32, #tpu.memory_space<hbm>>) target(%dma_start3A_169 : memref<56x1024xf32, #tpu.memory_space<vmem>>) offsets(%dma_start3A_171 : memref<56xi32, #tpu.memory_space<vmem>>) semaphore(%arg8 : memref<!tpu.dma_semaphore, #tpu.memory_space<semaphore_mem>>)
    %dma_wait3A_175 = arith.constant 0 : i32
    %dma_wait3A_176 = arith.constant 0 : i32
    %dma_wait3A_177 = tpu.memref_slice %arg7[%dma_wait3A_175, %dma_wait3A_176] : memref<56x1024xf32, #tpu.memory_space<vmem>> -> memref<56x1024xf32, #tpu.memory_space<vmem>>
    %dma_wait3A_178 = arith.constant 120 : i32
    %dma_wait3A_179 = tpu.memref_slice %arg5[%dma_wait3A_178] : memref<256xi32, #tpu.memory_space<vmem>> -> memref<56xi32, #tpu.memory_space<vmem>>
    %dma_wait3A_180 = arith.constant 0 : i32
    %dma_wait3A_181 = arith.constant 0 : i32
    %dma_wait3A_182 = tpu.memref_slice %arg3[%dma_wait3A_180, %dma_wait3A_181] : memref<100000x1024xf32, #tpu.memory_space<hbm>> -> memref<100000x1024xf32, #tpu.memory_space<hbm>>
    tpu.wait_indirect_dma semaphore(%arg9 : memref<!tpu.dma_semaphore, #tpu.memory_space<semaphore_mem>>) src(%dma_wait3A_182 : memref<100000x1024xf32, #tpu.memory_space<hbm>>) dst(%dma_wait3A_177 : memref<56x1024xf32, #tpu.memory_space<vmem>>)
    %add3A_183 = arith.constant 120 : i32
    %add3A_184 = arith.addi %mul3A_32, %add3A_183 : i32
    %dma_start3A_185 = arith.constant 0 : i32
    %dma_start3A_186 = arith.constant 0 : i32
    %dma_start3A_187 = tpu.memref_slice %arg7[%dma_start3A_185, %dma_start3A_186] : memref<56x1024xf32, #tpu.memory_space<vmem>> -> memref<56x1024xf32, #tpu.memory_space<vmem>>
    %dma_start3A_188 = arith.constant 0 : i32
    %dma_start3A_189 = tpu.memref_slice %arg4[%select_n3A, %add3A_184, %dma_start3A_188] : memref<4x2048x1024xf32, #tpu.memory_space<hbm>> -> memref<1x56x1024xf32, #tpu.memory_space<hbm>>
    %dma_start3A_190 = tpu.memref_squeeze %dma_start3A_189 : memref<1x56x1024xf32, #tpu.memory_space<hbm>> -> memref<56x1024xf32, #tpu.memory_space<hbm>>
    %dma_start3A_191 = arith.constant 0 : i32
    %dma_start3A_192 = tpu.memref_slice %arg4[%select_n3A, %add3A_184, %dma_start3A_191] : memref<4x2048x1024xf32, #tpu.memory_space<hbm>> -> memref<1x56x1024xf32, #tpu.memory_space<hbm>>
    %dma_start3A_193 = tpu.memref_squeeze %dma_start3A_192 : memref<1x56x1024xf32, #tpu.memory_space<hbm>> -> memref<56x1024xf32, #tpu.memory_space<hbm>>
    %dma_start3A_194 = arith.constant 0 : i32
    %dma_start3A_195 = arith.constant 0 : i32
    %dma_start3A_196 = tpu.memref_slice %arg7[%dma_start3A_194, %dma_start3A_195] : memref<56x1024xf32, #tpu.memory_space<vmem>> -> memref<56x1024xf32, #tpu.memory_space<vmem>>
    tpu.enqueue_dma source(%dma_start3A_196 : memref<56x1024xf32, #tpu.memory_space<vmem>>) target(%dma_start3A_193 : memref<56x1024xf32, #tpu.memory_space<hbm>>) target_semaphore(%arg11 : memref<!tpu.dma_semaphore, #tpu.memory_space<semaphore_mem>>)
    %dma_wait3A_197 = arith.constant 0 : i32
    %dma_wait3A_198 = arith.constant 0 : i32
    %dma_wait3A_199 = tpu.memref_slice %arg7[%dma_wait3A_197, %dma_wait3A_198] : memref<56x1024xf32, #tpu.memory_space<vmem>> -> memref<56x1024xf32, #tpu.memory_space<vmem>>
    %dma_wait3A_200 = arith.constant 0 : i32
    %dma_wait3A_201 = tpu.memref_slice %arg4[%select_n3A, %add3A_184, %dma_wait3A_200] : memref<4x2048x1024xf32, #tpu.memory_space<hbm>> -> memref<1x56x1024xf32, #tpu.memory_space<hbm>>
    %dma_wait3A_202 = tpu.memref_squeeze %dma_wait3A_201 : memref<1x56x1024xf32, #tpu.memory_space<hbm>> -> memref<56x1024xf32, #tpu.memory_space<hbm>>
    %dma_wait3A_203 = arith.constant 0 : i32
    %dma_wait3A_204 = tpu.memref_slice %arg4[%select_n3A, %add3A_184, %dma_wait3A_203] : memref<4x2048x1024xf32, #tpu.memory_space<hbm>> -> memref<1x56x1024xf32, #tpu.memory_space<hbm>>
    %dma_wait3A_205 = tpu.memref_squeeze %dma_wait3A_204 : memref<1x56x1024xf32, #tpu.memory_space<hbm>> -> memref<56x1024xf32, #tpu.memory_space<hbm>>
    %dma_wait3A_206 = arith.constant 0 : i32
    %dma_wait3A_207 = arith.constant 0 : i32
    %dma_wait3A_208 = tpu.memref_slice %arg7[%dma_wait3A_206, %dma_wait3A_207] : memref<56x1024xf32, #tpu.memory_space<vmem>> -> memref<56x1024xf32, #tpu.memory_space<vmem>>
    tpu.wait_dma2 semaphore(%arg11 : memref<!tpu.dma_semaphore, #tpu.memory_space<semaphore_mem>>) src(%dma_wait3A_208 : memref<56x1024xf32, #tpu.memory_space<vmem>>) dst(%dma_wait3A_205 : memref<56x1024xf32, #tpu.memory_space<hbm>>)
    %dma_start3A_209 = arith.constant 0 : i32
    %dma_start3A_210 = arith.constant 0 : i32
    %dma_start3A_211 = tpu.memref_slice %arg7[%dma_start3A_209, %dma_start3A_210] : memref<56x1024xf32, #tpu.memory_space<vmem>> -> memref<24x1024xf32, #tpu.memory_space<vmem>>
    %dma_start3A_212 = arith.constant 232 : i32
    %dma_start3A_213 = tpu.memref_slice %arg5[%dma_start3A_212] : memref<256xi32, #tpu.memory_space<vmem>> -> memref<24xi32, #tpu.memory_space<vmem>>
    %dma_start3A_214 = arith.constant 0 : i32
    %dma_start3A_215 = arith.constant 0 : i32
    %dma_start3A_216 = tpu.memref_slice %arg3[%dma_start3A_214, %dma_start3A_215] : memref<100000x1024xf32, #tpu.memory_space<hbm>> -> memref<100000x1024xf32, #tpu.memory_space<hbm>>
    tpu.enqueue_indirect_dma source(%dma_start3A_216 : memref<100000x1024xf32, #tpu.memory_space<hbm>>) target(%dma_start3A_211 : memref<24x1024xf32, #tpu.memory_space<vmem>>) offsets(%dma_start3A_213 : memref<24xi32, #tpu.memory_space<vmem>>) semaphore(%arg9 : memref<!tpu.dma_semaphore, #tpu.memory_space<semaphore_mem>>)
    %dma_wait3A_217 = arith.constant 0 : i32
    %dma_wait3A_218 = arith.constant 0 : i32
    %dma_wait3A_219 = tpu.memref_slice %arg6[%dma_wait3A_217, %dma_wait3A_218] : memref<56x1024xf32, #tpu.memory_space<vmem>> -> memref<56x1024xf32, #tpu.memory_space<vmem>>
    %dma_wait3A_220 = arith.constant 176 : i32
    %dma_wait3A_221 = tpu.memref_slice %arg5[%dma_wait3A_220] : memref<256xi32, #tpu.memory_space<vmem>> -> memref<56xi32, #tpu.memory_space<vmem>>
    %dma_wait3A_222 = arith.constant 0 : i32
    %dma_wait3A_223 = arith.constant 0 : i32
    %dma_wait3A_224 = tpu.memref_slice %arg3[%dma_wait3A_222, %dma_wait3A_223] : memref<100000x1024xf32, #tpu.memory_space<hbm>> -> memref<100000x1024xf32, #tpu.memory_space<hbm>>
    tpu.wait_indirect_dma semaphore(%arg8 : memref<!tpu.dma_semaphore, #tpu.memory_space<semaphore_mem>>) src(%dma_wait3A_224 : memref<100000x1024xf32, #tpu.memory_space<hbm>>) dst(%dma_wait3A_219 : memref<56x1024xf32, #tpu.memory_space<vmem>>)
    %add3A_225 = arith.constant 176 : i32
    %add3A_226 = arith.addi %mul3A_32, %add3A_225 : i32
    %dma_start3A_227 = arith.constant 0 : i32
    %dma_start3A_228 = arith.constant 0 : i32
    %dma_start3A_229 = tpu.memref_slice %arg6[%dma_start3A_227, %dma_start3A_228] : memref<56x1024xf32, #tpu.memory_space<vmem>> -> memref<56x1024xf32, #tpu.memory_space<vmem>>
    %dma_start3A_230 = arith.constant 0 : i32
    %dma_start3A_231 = tpu.memref_slice %arg4[%select_n3A, %add3A_226, %dma_start3A_230] : memref<4x2048x1024xf32, #tpu.memory_space<hbm>> -> memref<1x56x1024xf32, #tpu.memory_space<hbm>>
    %dma_start3A_232 = tpu.memref_squeeze %dma_start3A_231 : memref<1x56x1024xf32, #tpu.memory_space<hbm>> -> memref<56x1024xf32, #tpu.memory_space<hbm>>
    %dma_start3A_233 = arith.constant 0 : i32
    %dma_start3A_234 = tpu.memref_slice %arg4[%select_n3A, %add3A_226, %dma_start3A_233] : memref<4x2048x1024xf32, #tpu.memory_space<hbm>> -> memref<1x56x1024xf32, #tpu.memory_space<hbm>>
    %dma_start3A_235 = tpu.memref_squeeze %dma_start3A_234 : memref<1x56x1024xf32, #tpu.memory_space<hbm>> -> memref<56x1024xf32, #tpu.memory_space<hbm>>
    %dma_start3A_236 = arith.constant 0 : i32
    %dma_start3A_237 = arith.constant 0 : i32
    %dma_start3A_238 = tpu.memref_slice %arg6[%dma_start3A_236, %dma_start3A_237] : memref<56x1024xf32, #tpu.memory_space<vmem>> -> memref<56x1024xf32, #tpu.memory_space<vmem>>
    tpu.enqueue_dma source(%dma_start3A_238 : memref<56x1024xf32, #tpu.memory_space<vmem>>) target(%dma_start3A_235 : memref<56x1024xf32, #tpu.memory_space<hbm>>) target_semaphore(%arg10 : memref<!tpu.dma_semaphore, #tpu.memory_space<semaphore_mem>>)
    %dma_wait3A_239 = arith.constant 0 : i32
    %dma_wait3A_240 = arith.constant 0 : i32
    %dma_wait3A_241 = tpu.memref_slice %arg7[%dma_wait3A_239, %dma_wait3A_240] : memref<56x1024xf32, #tpu.memory_space<vmem>> -> memref<24x1024xf32, #tpu.memory_space<vmem>>
    %dma_wait3A_242 = arith.constant 232 : i32
    %dma_wait3A_243 = tpu.memref_slice %arg5[%dma_wait3A_242] : memref<256xi32, #tpu.memory_space<vmem>> -> memref<24xi32, #tpu.memory_space<vmem>>
    %dma_wait3A_244 = arith.constant 0 : i32
    %dma_wait3A_245 = arith.constant 0 : i32
    %dma_wait3A_246 = tpu.memref_slice %arg3[%dma_wait3A_244, %dma_wait3A_245] : memref<100000x1024xf32, #tpu.memory_space<hbm>> -> memref<100000x1024xf32, #tpu.memory_space<hbm>>
    tpu.wait_indirect_dma semaphore(%arg9 : memref<!tpu.dma_semaphore, #tpu.memory_space<semaphore_mem>>) src(%dma_wait3A_246 : memref<100000x1024xf32, #tpu.memory_space<hbm>>) dst(%dma_wait3A_241 : memref<24x1024xf32, #tpu.memory_space<vmem>>)
    %add3A_247 = arith.constant 232 : i32
    %add3A_248 = arith.addi %mul3A_32, %add3A_247 : i32
    %dma_start3A_249 = arith.constant 0 : i32
    %dma_start3A_250 = arith.constant 0 : i32
    %dma_start3A_251 = tpu.memref_slice %arg7[%dma_start3A_249, %dma_start3A_250] : memref<56x1024xf32, #tpu.memory_space<vmem>> -> memref<24x1024xf32, #tpu.memory_space<vmem>>
    %dma_start3A_252 = arith.constant 0 : i32
    %dma_start3A_253 = tpu.memref_slice %arg4[%select_n3A, %add3A_248, %dma_start3A_252] : memref<4x2048x1024xf32, #tpu.memory_space<hbm>> -> memref<1x24x1024xf32, #tpu.memory_space<hbm>>
    %dma_start3A_254 = tpu.memref_squeeze %dma_start3A_253 : memref<1x24x1024xf32, #tpu.memory_space<hbm>> -> memref<24x1024xf32, #tpu.memory_space<hbm>>
    %dma_start3A_255 = arith.constant 0 : i32
    %dma_start3A_256 = tpu.memref_slice %arg4[%select_n3A, %add3A_248, %dma_start3A_255] : memref<4x2048x1024xf32, #tpu.memory_space<hbm>> -> memref<1x24x1024xf32, #tpu.memory_space<hbm>>
    %dma_start3A_257 = tpu.memref_squeeze %dma_start3A_256 : memref<1x24x1024xf32, #tpu.memory_space<hbm>> -> memref<24x1024xf32, #tpu.memory_space<hbm>>
    %dma_start3A_258 = arith.constant 0 : i32
    %dma_start3A_259 = arith.constant 0 : i32
    %dma_start3A_260 = tpu.memref_slice %arg7[%dma_start3A_258, %dma_start3A_259] : memref<56x1024xf32, #tpu.memory_space<vmem>> -> memref<24x1024xf32, #tpu.memory_space<vmem>>
    tpu.enqueue_dma source(%dma_start3A_260 : memref<24x1024xf32, #tpu.memory_space<vmem>>) target(%dma_start3A_257 : memref<24x1024xf32, #tpu.memory_space<hbm>>) target_semaphore(%arg11 : memref<!tpu.dma_semaphore, #tpu.memory_space<semaphore_mem>>)
    %dma_wait3A_261 = arith.constant 0 : i32
    %dma_wait3A_262 = arith.constant 0 : i32
    %dma_wait3A_263 = tpu.memref_slice %arg6[%dma_wait3A_261, %dma_wait3A_262] : memref<56x1024xf32, #tpu.memory_space<vmem>> -> memref<56x1024xf32, #tpu.memory_space<vmem>>
    %dma_wait3A_264 = arith.constant 0 : i32
    %dma_wait3A_265 = tpu.memref_slice %arg4[%select_n3A, %add3A_226, %dma_wait3A_264] : memref<4x2048x1024xf32, #tpu.memory_space<hbm>> -> memref<1x56x1024xf32, #tpu.memory_space<hbm>>
    %dma_wait3A_266 = tpu.memref_squeeze %dma_wait3A_265 : memref<1x56x1024xf32, #tpu.memory_space<hbm>> -> memref<56x1024xf32, #tpu.memory_space<hbm>>
    %dma_wait3A_267 = arith.constant 0 : i32
    %dma_wait3A_268 = tpu.memref_slice %arg4[%select_n3A, %add3A_226, %dma_wait3A_267] : memref<4x2048x1024xf32, #tpu.memory_space<hbm>> -> memref<1x56x1024xf32, #tpu.memory_space<hbm>>
    %dma_wait3A_269 = tpu.memref_squeeze %dma_wait3A_268 : memref<1x56x1024xf32, #tpu.memory_space<hbm>> -> memref<56x1024xf32, #tpu.memory_space<hbm>>
    %dma_wait3A_270 = arith.constant 0 : i32
    %dma_wait3A_271 = arith.constant 0 : i32
    %dma_wait3A_272 = tpu.memref_slice %arg6[%dma_wait3A_270, %dma_wait3A_271] : memref<56x1024xf32, #tpu.memory_space<vmem>> -> memref<56x1024xf32, #tpu.memory_space<vmem>>
    tpu.wait_dma2 semaphore(%arg10 : memref<!tpu.dma_semaphore, #tpu.memory_space<semaphore_mem>>) src(%dma_wait3A_272 : memref<56x1024xf32, #tpu.memory_space<vmem>>) dst(%dma_wait3A_269 : memref<56x1024xf32, #tpu.memory_space<hbm>>)
    %dma_wait3A_273 = arith.constant 0 : i32
    %dma_wait3A_274 = arith.constant 0 : i32
    %dma_wait3A_275 = tpu.memref_slice %arg7[%dma_wait3A_273, %dma_wait3A_274] : memref<56x1024xf32, #tpu.memory_space<vmem>> -> memref<24x1024xf32, #tpu.memory_space<vmem>>
    %dma_wait3A_276 = arith.constant 0 : i32
    %dma_wait3A_277 = tpu.memref_slice %arg4[%select_n3A, %add3A_248, %dma_wait3A_276] : memref<4x2048x1024xf32, #tpu.memory_space<hbm>> -> memref<1x24x1024xf32, #tpu.memory_space<hbm>>
    %dma_wait3A_278 = tpu.memref_squeeze %dma_wait3A_277 : memref<1x24x1024xf32, #tpu.memory_space<hbm>> -> memref<24x1024xf32, #tpu.memory_space<hbm>>
    %dma_wait3A_279 = arith.constant 0 : i32
    %dma_wait3A_280 = tpu.memref_slice %arg4[%select_n3A, %add3A_248, %dma_wait3A_279] : memref<4x2048x1024xf32, #tpu.memory_space<hbm>> -> memref<1x24x1024xf32, #tpu.memory_space<hbm>>
    %dma_wait3A_281 = tpu.memref_squeeze %dma_wait3A_280 : memref<1x24x1024xf32, #tpu.memory_space<hbm>> -> memref<24x1024xf32, #tpu.memory_space<hbm>>
    %dma_wait3A_282 = arith.constant 0 : i32
    %dma_wait3A_283 = arith.constant 0 : i32
    %dma_wait3A_284 = tpu.memref_slice %arg7[%dma_wait3A_282, %dma_wait3A_283] : memref<56x1024xf32, #tpu.memory_space<vmem>> -> memref<24x1024xf32, #tpu.memory_space<vmem>>
    tpu.wait_dma2 semaphore(%arg11 : memref<!tpu.dma_semaphore, #tpu.memory_space<semaphore_mem>>) src(%dma_wait3A_284 : memref<24x1024xf32, #tpu.memory_space<vmem>>) dst(%dma_wait3A_281 : memref<24x1024xf32, #tpu.memory_space<hbm>>)
    return
  }
}

</mosaic_0001>

<sc_bundles>
// kernel: kernel.3.cloned.1.call-start
scs
__scs_entry_jumppad:
0x0: {  	(pc) =	sbr.rel $0x88, $3  }
0x1: {  	(tag) =	ssettag $0x0;
	lr =	simm.s32 $0x1  }
0x2: {  	[smem:$0x3F9F] =	sst lr;
	_ =	strace $0xD0000000  }
0x3: {  	_ = 	snop  }
0x4: {  	_ = 	snop  }
0x5: {  	_ = 	snop  }
0x6: {  	_ = 	snop  }
0x7: {  	_ = 	snop  }
__scs_overlays_trampoline_lowered:
0x8: {  	[smem:$0x3FAE] =	sst s0  }
0x9: {  	[smem:$0x3FAF] =	sst s1  }
0xa: {  	[smem:$0x3FB0] =	sst s2  }
0xb: {  	[smem:$0x3FB1] =	sst s3  }
0xc: {  	[smem:$0x3FB2] =	sst s4  }
0xd: {  	[smem:$0x3FB3] =	sst s5  }
0xe: {  	[smem:$0x3FB4] =	sst s6  }
0xf: {  	[smem:$0x3FB5] =	sst s7  }
0x10: {  	[smem:$0x3FB6] =	sst s8  }
0x11: {  	[smem:$0x3FB7] =	sst s9;
	s0 =	simm.s32 @!p0 $0x0  }
0x12: {  	s1 =	sld [smem:$0x3F9D];
	s0 =	simm.s32 @p0 $0x1  }
0x13: {  	[smem:$0x3FB8] =	sst s0;
	s0 =	simm.s32 @!p1 $0x0  }
0x14: {  	s2 =	sld [smem:$0x3F9C];
	s0 =	simm.s32 @p1 $0x1  }
0x15: {  	[smem:$0x3FB9] =	sst s0;
	s0 =	simm.s32 @!p2 $0x0  }
0x16: {  	s3 =	sld [smem:$0x3FDB];
	s0 =	simm.s32 @p2 $0x1  }
0x17: {  	s4 =	simm.s32 $0x1BF5;
	[smem:$0x3FBB] =	sst s0  }
0x18: {  	s0 =	sld [smem:$0x3F9E];
	_ =	swait.ge [sflag:s4], $0x0  }
0x19: {  	s7 =	sld [smem:$0x3F9F]  }
0x1a: {  	s8 =	sadd.s32 $0xFFFFE003, lr  }
0x1b: {  	s9 =	sadd.s32 $0xFFFFFEF7, lr;
	s5 =	simm.s32 $0xFFFFFFFF;
	p2 =	slt.u32 s8, $0xFFFFF086  }
0x1c: {  	p1 =	slt.u32 s9, $0xF7A;
	s5 =	simm.s32 @!p2 $0x0  }
0x1d: {  	s5 =	simm.s32 @p1 $0x1;
	p0 =	seq.s32 s7, s2  }
0x1e: {  	s7 =	smul.u32 @!p0 $0xF7A, s2;
	p2 =	seq.s32 @!p0 s5, $0x0  }
0x1f: {  	s9 =	smul.u32 $0xF7A, s1;
	s8 =	simm.s32 @!p0 $0x1BF5;
	p2 =	por !p2, p0  }
0x20: {  	[sflag:s8] =	ssyncset.s32 @!p0 $0xFFFFF086;
	s6 =	sadd.s32 @!p0 s3, s7;
	s7 =	simm.s32 @!p0 $0x108  }
0x21: {  	s3 =	sadd.s32 s3, s9;
	s6 =	sadd.s32 @!p0 $0x88, s6;
	s7 =	simm.s32 @p2 $0x1082  }
0x22: {  	[simem:s7], [sflag:s8] =	dma.local @!p0 [hbm:s6], $0xF7A  }
0x23: {  	s9 =	sor.u32 $0xD0000000, s2;
	s6 =	simm.s32 $0x108;
	_ =	swait.ge @!p0 [sflag:s8], $0x0  }
0x24: {  	s3 =	sadd.s32 $0x88, s3;
	s6 =	simm.s32 @!p1 $0x1082;
	[sflag:s4] =	ssyncset.s32 $0xFFFFF086  }
0x25: {  	[simem:s6], [sflag:s4] =	dma.local [hbm:s3], $0xF7A  }
0x26: {  	[smem:$0x3F9F] =	sst s1;
	(tag) =	ssettag s2;
	_ =	strace s9  }
0x27: {  	s1 =	sld [smem:$0x3FAF]  }
0x28: {  	s2 =	sld [smem:$0x3FB0]  }
0x29: {  	s4 =	sld [smem:$0x3FB2]  }
0x2a: {  	p0 =	seq.s32 s5, $0x0;
	s5 =	sld [smem:$0x3FB3]  }
0x2b: {  	s6 =	sld [smem:$0x3FB4]  }
0x2c: {  	s7 =	sld [smem:$0x3FB5]  }
0x2d: {  	s3 =	simm.s32 $0x108;
	s8 =	sld [smem:$0x3FB6]  }
0x2e: {  	s3 =	simm.s32 @!p0 $0x1082;
	s9 =	sld [smem:$0x3FB7]  }
0x2f: {  	lr =	sadd.s32 s0, s3;
	s0 =	sld [smem:$0x3FAE]  }
0x30: {  	s3 =	sld [smem:$0x3FB1]  }
0x31: {  	[smem:$0x3FBA] =	sst s10  }
0x32: {  	s10 =	sld [smem:$0x3FB8];
	_ =	sdelay $0x3  }
0x33: {  	p0 =	seq.s32 s10, $0x1;
	s10 =	sld [smem:$0x3FBA];
	_ =	sdelay $0x3  }
0x34: {  	[smem:$0x3FBA] =	sst s10  }
0x35: {  	s10 =	sld [smem:$0x3FB9];
	_ =	sdelay $0x3  }
0x36: {  	p1 =	seq.s32 s10, $0x1;
	s10 =	sld [smem:$0x3FBA];
	_ =	sdelay $0x3  }
0x37: {  	[smem:$0x3FBA] =	sst s10  }
0x38: {  	s10 =	sld [smem:$0x3FBB]  }
0x39: {  	_ = 	snop;
	(pc) =	sbr.ind lr, $3  }
0x3a: {  	_ = 	snop  }
0x3b: {  	_ = 	snop  }
0x3c: {  	p2 =	seq.s32 s10, $0x1;
	s10 =	sld [smem:$0x3FBA]  }
0x3d: {  	_ =	shalt  }
0x3e: {  	_ =	shalt  }
0x3f: {  	_ =	shalt  }
0x40: {  	_ =	shalt  }
0x41: {  	_ =	shalt  }
0x42: {  	_ =	shalt  }
0x43: {  	_ =	shalt  }
0x44: {  	_ =	shalt  }
0x45: {  	_ =	shalt  }
0x46: {  	_ =	shalt  }
0x47: {  	_ =	shalt  }
0x48: {  	_ =	shalt  }
0x49: {  	_ =	shalt  }
0x4a: {  	_ =	shalt  }
0x4b: {  	_ =	shalt  }
0x4c: {  	_ =	shalt  }
0x4d: {  	_ =	shalt  }
0x4e: {  	_ =	shalt  }
0x4f: {  	_ =	shalt  }
0x50: {  	_ =	shalt  }
0x51: {  	_ =	shalt  }
0x52: {  	_ =	shalt  }
0x53: {  	_ =	shalt  }
0x54: {  	_ =	shalt  }
0x55: {  	_ =	shalt  }
0x56: {  	_ =	shalt  }
0x57: {  	_ =	shalt  }
0x58: {  	_ =	shalt  }
0x59: {  	_ =	shalt  }
0x5a: {  	_ =	shalt  }
0x5b: {  	_ =	shalt  }
0x5c: {  	_ =	shalt  }
0x5d: {  	_ =	shalt  }
0x5e: {  	_ =	shalt  }
0x5f: {  	_ =	shalt  }
0x60: {  	_ =	shalt  }
0x61: {  	_ =	shalt  }
0x62: {  	_ =	shalt  }
0x63: {  	_ =	shalt  }
0x64: {  	_ =	shalt  }
0x65: {  	_ =	shalt  }
0x66: {  	_ =	shalt  }
0x67: {  	_ =	shalt  }
0x68: {  	_ =	shalt  }
0x69: {  	_ =	shalt  }
0x6a: {  	_ =	shalt  }
0x6b: {  	_ =	shalt  }
0x6c: {  	_ =	shalt  }
0x6d: {  	_ =	shalt  }
0x6e: {  	_ =	shalt  }
0x6f: {  	_ =	shalt  }
0x70: {  	_ =	shalt  }
0x71: {  	_ =	shalt  }
0x72: {  	_ =	shalt  }
0x73: {  	_ =	shalt  }
0x74: {  	_ =	shalt  }
0x75: {  	_ =	shalt  }
0x76: {  	_ =	shalt  }
0x77: {  	_ =	shalt  }
0x78: {  	_ =	shalt  }
0x79: {  	_ =	shalt  }
0x7a: {  	_ =	shalt  }
0x7b: {  	_ =	shalt  }
0x7c: {  	_ =	shalt  }
0x7d: {  	_ =	shalt  }
0x7e: {  	_ =	shalt  }
0x7f: {  	_ =	shalt  }
0x80: {  	_ =	shalt  }
0x81: {  	_ =	shalt  }
0x82: {  	_ =	shalt  }
0x83: {  	_ =	shalt  }
0x84: {  	_ =	shalt  }
0x85: {  	_ =	shalt  }
0x86: {  	_ =	shalt  }
0x87: {  	_ =	shalt  }
.Lfunc_end0:
.L_simem_size_0:
called_computation_lowered:
.L_overlay_start_0:
0x88: {  	s2 =	sld [smem:$0x3FD9]  }
0x89: {  	s3 =	sld [smem:$0x3FFE];
	_ =	sdelay $0x1  }
0x8a: {  	s1 =	srdreg.scid  }
0x8b: {  	s0 =	sand.u32 $0x1, s1  }
0x8c: {  	s18 =	sshll.u32 s0, $0xA;
	s2 =	sadd.s32 s3, s2  }
0x8d: {  	s2 =	sadd.s32 s2, s18  }
0x8e: {  	[smem:$0x3FC6] =	sst s2  }
0x8f: {  	_ = 	snop  }
0x90: {  	s2 =	sld [smem:$0x3FC9]  }
0x91: {  	s19 =	sld [smem:$0x3FC8]  }
0x92: {  	s4 =	sld [smem:$0x3FD0];
	(tm) =	ssettm $0x1  }
0x93: {  	s5 =	sld [smem:$0x3FFB];
	_ =	sdelay $0x3  }
0x94: {  	_ =	strace s5  }
0x95: {  	s5 =	sld [smem:$0x3FFC];
	_ =	sdelay $0x3  }
0x96: {  	_ =	strace s5  }
0x97: {  	s5 =	sld [smem:$0x3FFD];
	_ =	sdelay $0x3  }
0x98: {  	_ =	strace s5  }
0x99: {  	_ =	strace $0x8FFFFFFF  }
0x9a: {  	s20 =	sld [smem:$0x3FDB];
	_ =	sdelay $0x1  }
0x9b: {  	s6 =	simm.s32 $_scs_section_size  }
0x9c: {  	s7 =	simm.s32 $_size__tile_overlayer_lowered;
	s8 =	simm.s32 $_tile_overlayer_lowered  }
0x9d: {  	s23 =	simm.s32 $0x1BFF;
	s22 =	sshll.u32 s8, $0x1;
	s5 =	sadd.s32 s6, s20  }
0x9e: {  	s9 =	simm.s32 $0x0;
	s21 =	sshll.u32 s7, $0x1;
	s7 =	sadd.s32 s22, s5  }
0x9f: {  	[timem:s9], [sflag:s23] =	dma.local [hbm:s7], s21  }
0xa0: {  	_ =	swait.ge [sflag:s23], s21  }
0xa1: {  	s6 =	ssub.s32 $0x0, s21;
	[sflag:s23] =	ssyncset.done $0x0  }
0xa2: {  	[sflag:s23] =	ssyncadd.s32 s6;
	_ =	sdelay $0x1  }
0xa3: {  	s24 =	simm.s32 $0x1B8B  }
0xa4: {  	_ =	swait.ge [sflag:s24], $0x1  }
0xa5: {  	[sflag:s24] =	ssyncset.done $0x0  }
0xa6: {  	s25 =	simm.s32 $0x1B8E;
	[sflag:s24] =	ssyncadd.s32 $0xFFFFFFFF  }
0xa7: {  	s26 =	simm.s32 $execute0_lowered;
	[smem:$0x3FD2] =	sst s25  }
0xa8: {  	s6 =	sshll.u32 s26, $0x1;
	_ =	strace $0x80000046;
	[dreg:$0x1] =	wrdreg $0xFFFFFFFF  }
0xa9: {  	s28 =	simm.s32 $_size_execute0_lowered;
	s5 =	sadd.s32 s5, s6;
	[dreg:$0x0] =	wrdreg $0x0  }
0xaa: {  	s6 =	sshll.u32 s28, $0x1;
	[dreg:$0x2] =	wrdreg s5  }
0xab: {  	[dreg:$0x3] =	wrdreg s6  }
0xac: {  	[dreg:$0x4] =	wrdreg $0xC0  }
0xad: {  	_ =	task [dreg:s9], $0x5FFFF  }
0xae: {  	[dreg:$0x1] =	wrdreg $0xFFFFFFFF  }
0xaf: {  	[dreg:$0x0] =	wrdreg $0x60  }
0xb0: {  	[dreg:$0x2] =	wrdreg s2  }
0xb1: {  	[dreg:$0x3] =	wrdreg s19  }
0xb2: {  	[dreg:$0x4] =	wrdreg s4  }
0xb3: {  	[dreg:$0x5] =	wrdreg $0x9  }
0xb4: {  	_ =	task.clear_ibuf [dreg:s9], $0x6FFFF;
	_ =	strace $0x90000046  }
0xb5: {  	s29 =	simm.s32 $0x9;
	_ =	strace $0x80000048  }
0xb6: {  	_ =	swait.ge [sflag:s29], $0x1  }
0xb7: {  	[sflag:s29] =	ssyncadd.s32 $0xFFFFFFFF  }
0xb8: {  	_ =	strace $0x90000048  }
0xb9: {  	_ =	sfence  }
0xba: {  	s30 =	sld [smem:$0x0];
	_ =	sdelay $0x2  }
0xbb: {  	s31 =	sshll.u32 s1, $0xD;
	s1 =	sshrl.u32 s1, $0x2  }
0xbc: {  	s3 =	sand.u32 $0x4000, s31;
	s1 =	sadd.s32 s1, s30  }
0xbd: {  	s0 =	sor.u32 s3, s0;
	s1 =	sshll.u32 s1, $0x11  }
0xbe: {  	s0 =	sor.u32 s1, s0  }
0xbf: {  	s0 =	sadd.s32 $0x8F2B, s0  }
0xc0: {  	[sflag:s0] =	ssyncadd.remote.s32 $0x1  }
0xc1: {  	_ =	sfence.sel $0xFFFF  }
0xc2: {  	[dreg:$0x0] =	wrdreg $0xFFFFFFFF;
	(pc) =	sbr.abs _section_cstart, $3  }
0xc3: {  	[dreg:$0x1] =	wrdreg $0xFFFFFFFF  }
0xc4: {  	_ =	task.clear_ibuf [dreg:s9], $0x2FFFF;
	_ =	strace $0x9FFFFFFF  }
0xc5: {  	(tm) =	ssettm $0x7FFFFFFF  }
tec
execute0_lowered:
.L_overlay_start_1:
0x0: {  	(tag) =	ssettag $0x1  }
0x1: {  	s0 =	rddreg [dreg:$0x0]  }
0x2: {  	s5 =	stileid.u32;
	s2 =	rddreg [dreg:$0x1]  }
0x3: {  	s1 =	srdreg.scid;
	s4 =	rddreg [dreg:$0x2];
	s29 =	simm.s32 $0x80  }
0x4: {  	s30 =	simm.s32 $0x1;
	s31 =	simm.s32 $0x3;
	s28 =	simm.s32 $0x4  }
0x5: {  	s15 =	simm.s32 $0x100;
	s13 =	simm.s32 $0x15100;
	s12 =	simm.s32 $0x15900  }
0x6: {  	s10 =	simm.s32 $0x16100;
	s11 =	simm.s32 $0x1B900;
	s3 =	sshll.u32 s5, $0x1  }
0x7: {  	s1 =	sand.u32 $0x1, s1;
	s5 =	sshrl.u32 s5, $0x2;
	s3 =	sand.u32 $0x6, s3  }
0x8: {  	s8 =	sshll.u32 s5, $0x4;
	s5 =	sshll.u32 s5, $0x12;
	s20 =	ssub.s32 $0x2, s1  }
0x9: {  	s6 =	sor.u32 s1, s3;
	s3 =	simm.s32 $0x0;
	s22 =	sshrl.u32 s20, $0x1  }
0xa: {  	s7 =	sshll.u32 s6, $0x7;
	s6 =	sshll.u32 s6, $0xF;
	[smem:$0x7FF] =	sst s3  }
0xb: {  	s7 =	sor.u32 s8, s7;
	s17 =	sor.u32 s5, s6;
	_ =	strace $0x80000047  }
0xc: {  	s6 =	sadd.s32 $0x100, s2;
	[dreg:$0xa] =	wrdreg s29;
	s7 =	sadd.s32 s0, s7  }
0xd: {  	s8 =	sadd.s32 $0x300, s2;
	s19 =	sadd.s32 s4, s17;
	[dreg:$0xb] =	wrdreg s7  }
0xe: {  	s0 =	ssub.s32 s20, s22;
	s18 =	sadd.s32 $0x40, s7;
	[dreg:$0xc] =	wrdreg s19  }
0xf: {  	s4 =	simm.s32 $0x2;
	s21 =	sadd.s32 $0x400, s19;
	[dreg:$0x4] =	wrdreg s18  }
0x10: {  	s20 =	simm.s32 $0x17900;
	s23 =	sadd.s32 $0x2000, s19;
	[dreg:$0x5] =	wrdreg s21  }
0x11: {  	s22 =	simm.s32 $0x18900;
	s24 =	sadd.s32 $0x3C00, s19;
	[dreg:$0x6] =	wrdreg s23  }
0x12: {  	s17 =	simm.s32 $0x1A900;
	s25 =	sadd.s32 $0x5800, s19;
	[dreg:$0x7] =	wrdreg s24  }
0x13: {  	s7 =	sadd.s32 $0x200, s2;
	s26 =	sadd.s32 $0x7400, s19;
	[dreg:$0x8] =	wrdreg s25  }
0x14: {  	v2 =	vlaneseq.u32;
	s9 =	smax.u32 s0, $0x1;
	s19 =	simm.s32 $0x17100;
	[dreg:$0x9] =	wrdreg s26  }
0x15: {  	vm0 =	vmmov $0xffff;
	v1 =	vshrl.u32 v2, $0x3;
	s18 =	simm.s32 $0x16900;
	s21 =	simm.s32 $0x18100;
	s23 =	simm.s32 $0x19100  }
0x16: {  	v0 =	vand.u32 $0x7, v2;
	v2 =	vor.u32 $0x8, v2;
	v1 =	vmul.u32 $0x8, v1;
	s24 =	simm.s32 $0x19900;
	s25 =	simm.s32 $0x1A100;
	s26 =	simm.s32 $0x1B100  }
.LBB2_1:
0x17: {  	s1 =	rddreg [dreg:$0xb];
	s0 =	simm.s32 $0x5  }
0x18: {  	[tilespmem:s3], [sflag:$0x5] =	stream.linear.gather [hbm4b:s1+s3], $0x80, $0x38;
	[tilespmem:$0x1C100] =	vst v63  }
0x19: {  	_ =	swait.ge [sflag:s0], $0x80  }
0x1a: {  	[sflag:s0] =	ssyncset.done $0x0  }
0x1b: {  	[sflag:s0] =	ssyncadd.s32 $0xFFFFFF80  }
0x1c: {  	v3 =	vld.msk [tilespmem:$0x0], $0xff;
	_ =	sdelay $0x4  }
0x1d: {  	v4 =	vshll.u32 v3, $0x3  }
0x1e: {  	v3 =	vand.u32 $0x7, v3;
	v4 =	vand.u32 $0xFFFFFFC0, v4  }
0x1f: {  	v3 =	vor.u32 v3, v4  }
0x20: {  	v3 =	vperm.xlane v3, v0;
	_ =	sdelay $0x1  }
0x21: {  	v3 =	vadd.s32 v1, v3;
	_ =	sdelay $0x4  }
0x22: {  	[tilespmem:s15], [sflag:$0x1] =	stream.indirect_vreg.gather [hbm4b:s2+s3], $0x80, v3, vm0, $0xb8;
	[tilespmem:$0x1C100] =	vst v63  }
0x23: {  	s16 =	simm.s32 $0x900  }
0x24: {  	[tilespmem:s16], [sflag:$0x1] =	stream.indirect_vreg.gather [hbm4b:s6+s3], $0x80, v3, vm0, $0xb8;
	[tilespmem:$0x1C100] =	vst v63  }
0x25: {  	s29 =	simm.s32 $0x1100  }
0x26: {  	[tilespmem:s29], [sflag:$0x1] =	stream.indirect_vreg.gather [hbm4b:s7+s3], $0x80, v3, vm0, $0xb8;
	[tilespmem:$0x1C100] =	vst v63  }
0x27: {  	s5 =	simm.s32 $0x1900;
	s1 =	rddreg [dreg:$0xa]  }
0x28: {  	[tilespmem:s5], [sflag:$0x1] =	stream.indirect_vreg.gather [hbm4b:s8+s3], $0x80, v3, vm0, $0xb8;
	[tilespmem:$0x1C100] =	vst v63  }
0x29: {  	s29 =	rddreg [dreg:$0x4]  }
0x2a: {  	[tilespmem:s1], [sflag:$0x5] =	stream.linear.gather [hbm4b:s29+s3], $0x80, $0x38;
	[tilespmem:$0x1C100] =	vst v63  }
0x2b: {  	_ =	swait.ge [sflag:s0], $0x80  }
0x2c: {  	[sflag:s0] =	ssyncset.done $0x0  }
0x2d: {  	[sflag:s0] =	ssyncadd.s32 $0xFFFFFF80  }
0x2e: {  	v3 =	vld [tilespmem:$0x8];
	_ =	sdelay $0x4  }
0x2f: {  	v46 =	vshll.u32 v3, $0x3  }
0x30: {  	v3 =	vand.u32 $0x7, v3;
	v4 =	vand.u32 $0xFFFFFFC0, v46  }
0x31: {  	v3 =	vor.u32 v3, v4  }
0x32: {  	v4 =	vperm.xlane v3, v0;
	_ =	sdelay $0x1  }
0x33: {  	v4 =	vadd.s32 v1, v4;
	_ =	sdelay $0x3  }
0x34: {  	s0 =	simm.s32 $0xE100  }
0x35: {  	[tilespmem:s0], [sflag:$0x2] =	stream.indirect_vreg.gather [hbm4b:s2+s3], $0x80, v4, vm0, $0xb8;
	[tilespmem:$0x1C100] =	vst v63  }
0x36: {  	s5 =	simm.s32 $0xE900;
	v3 =	vperm.xlane v3, v2  }
0x37: {  	[tilespmem:s5], [sflag:$0x2] =	stream.indirect_vreg.gather [hbm4b:s6+s3], $0x80, v4, vm0, $0xb8;
	[tilespmem:$0x1C100] =	vst v63  }
0x38: {  	s29 =	simm.s32 $0xF100;
	v3 =	vadd.s32 v1, v3  }
0x39: {  	[tilespmem:s29], [sflag:$0x2] =	stream.indirect_vreg.gather [hbm4b:s7+s3], $0x80, v4, vm0, $0xb8;
	[tilespmem:$0x1C100] =	vst v63  }
0x3a: {  	s5 =	simm.s32 $0xF900  }
0x3b: {  	[tilespmem:s5], [sflag:$0x2] =	stream.indirect_vreg.gather [hbm4b:s8+s3], $0x80, v4, vm0, $0xb8;
	[tilespmem:$0x1C100] =	vst v63  }
0x3c: {  	s29 =	simm.s32 $0x10100  }
0x3d: {  	[tilespmem:s29], [sflag:$0x2] =	stream.indirect_vreg.gather [hbm4b:s2+s3], $0x80, v3, vm0, $0xb8;
	[tilespmem:$0x1C100] =	vst v63  }
0x3e: {  	s5 =	simm.s32 $0x10900  }
0x3f: {  	[tilespmem:s5], [sflag:$0x2] =	stream.indirect_vreg.gather [hbm4b:s6+s3], $0x80, v3, vm0, $0xb8;
	[tilespmem:$0x1C100] =	vst v63  }
0x40: {  	s29 =	simm.s32 $0x11100  }
0x41: {  	[tilespmem:s29], [sflag:$0x2] =	stream.indirect_vreg.gather [hbm4b:s7+s3], $0x80, v3, vm0, $0xb8;
	[tilespmem:$0x1C100] =	vst v63  }
0x42: {  	s5 =	simm.s32 $0x11900  }
0x43: {  	[tilespmem:s5], [sflag:$0x2] =	stream.indirect_vreg.gather [hbm4b:s8+s3], $0x80, v3, vm0, $0xb8;
	[tilespmem:$0x1C100] =	vst v63  }
0x44: {  	v3 =	vld [tilespmem:$0x18];
	_ =	sdelay $0x4  }
0x45: {  	v47 =	vshll.u32 v3, $0x3  }
0x46: {  	v3 =	vand.u32 $0x7, v3;
	v4 =	vand.u32 $0xFFFFFFC0, v47  }
0x47: {  	v3 =	vor.u32 v3, v4  }
0x48: {  	v4 =	vperm.xlane v3, v0;
	_ =	sdelay $0x1  }
0x49: {  	v4 =	vadd.s32 v1, v4;
	_ =	sdelay $0x3  }
0x4a: {  	s29 =	simm.s32 $0x12100  }
0x4b: {  	[tilespmem:s29], [sflag:$0x2] =	stream.indirect_vreg.gather [hbm4b:s2+s3], $0x80, v4, vm0, $0xb8;
	[tilespmem:$0x1C100] =	vst v63  }
0x4c: {  	s5 =	simm.s32 $0x12900;
	v3 =	vperm.xlane v3, v2  }
0x4d: {  	[tilespmem:s5], [sflag:$0x2] =	stream.indirect_vreg.gather [hbm4b:s6+s3], $0x80, v4, vm0, $0xb8;
	[tilespmem:$0x1C100] =	vst v63  }
0x4e: {  	v3 =	vadd.s32 v1, v3;
	s29 =	simm.s32 $0x13100  }
0x4f: {  	[tilespmem:s29], [sflag:$0x2] =	stream.indirect_vreg.gather [hbm4b:s7+s3], $0x80, v4, vm0, $0xb8;
	[tilespmem:$0x1C100] =	vst v63  }
0x50: {  	s5 =	simm.s32 $0x13900  }
0x51: {  	[tilespmem:s5], [sflag:$0x2] =	stream.indirect_vreg.gather [hbm4b:s8+s3], $0x80, v4, vm0, $0xb8;
	[tilespmem:$0x1C100] =	vst v63  }
0x52: {  	s29 =	simm.s32 $0x14100  }
0x53: {  	[tilespmem:s29], [sflag:$0x2] =	stream.indirect_vreg.gather [hbm4b:s2+s3], $0x80, v3, vm0, $0xb8;
	[tilespmem:$0x1C100] =	vst v63  }
0x54: {  	s5 =	simm.s32 $0x14900  }
0x55: {  	[tilespmem:s5], [sflag:$0x2] =	stream.indirect_vreg.gather [hbm4b:s6+s3], $0x80, v3, vm0, $0xb8;
	[tilespmem:$0x1C100] =	vst v63  }
0x56: {  	_ = 	snop  }
0x57: {  	[tilespmem:s13], [sflag:$0x2] =	stream.indirect_vreg.gather [hbm4b:s7+s3], $0x80, v3, vm0, $0xb8;
	[tilespmem:$0x1C100] =	vst v63  }
0x58: {  	_ = 	snop  }
0x59: {  	[tilespmem:s12], [sflag:$0x2] =	stream.indirect_vreg.gather [hbm4b:s8+s3], $0x80, v3, vm0, $0xb8;
	[tilespmem:$0x1C100] =	vst v63  }
0x5a: {  	v3 =	vld [tilespmem:$0x28];
	_ =	sdelay $0x4  }
0x5b: {  	v48 =	vshll.u32 v3, $0x3  }
0x5c: {  	v3 =	vand.u32 $0x7, v3;
	v4 =	vand.u32 $0xFFFFFFC0, v48  }
0x5d: {  	v3 =	vor.u32 v3, v4  }
0x5e: {  	v4 =	vperm.xlane v3, v0;
	_ =	sdelay $0x1  }
0x5f: {  	v4 =	vadd.s32 v1, v4;
	_ =	sdelay $0x4  }
0x60: {  	[tilespmem:s10], [sflag:$0x2] =	stream.indirect_vreg.gather [hbm4b:s2+s3], $0x80, v4, vm0, $0xb8;
	[tilespmem:$0x1C100] =	vst v63  }
0x61: {  	v3 =	vperm.xlane v3, v2  }
0x62: {  	[tilespmem:s18], [sflag:$0x2] =	stream.indirect_vreg.gather [hbm4b:s6+s3], $0x80, v4, vm0, $0xb8;
	[tilespmem:$0x1C100] =	vst v63  }
0x63: {  	v3 =	vadd.s32 v1, v3  }
0x64: {  	[tilespmem:s19], [sflag:$0x2] =	stream.indirect_vreg.gather [hbm4b:s7+s3], $0x80, v4, vm0, $0xb8;
	[tilespmem:$0x1C100] =	vst v63  }
0x65: {  	_ = 	snop  }
0x66: {  	[tilespmem:s20], [sflag:$0x2] =	stream.indirect_vreg.gather [hbm4b:s8+s3], $0x80, v4, vm0, $0xb8;
	[tilespmem:$0x1C100] =	vst v63  }
0x67: {  	_ = 	snop  }
0x68: {  	[tilespmem:s21], [sflag:$0x2] =	stream.indirect_vreg.gather [hbm4b:s2+s3], $0x80, v3, vm0, $0xb8;
	[tilespmem:$0x1C100] =	vst v63  }
0x69: {  	_ = 	snop  }
0x6a: {  	[tilespmem:s22], [sflag:$0x2] =	stream.indirect_vreg.gather [hbm4b:s6+s3], $0x80, v3, vm0, $0xb8;
	[tilespmem:$0x1C100] =	vst v63  }
0x6b: {  	_ = 	snop  }
0x6c: {  	[tilespmem:s23], [sflag:$0x2] =	stream.indirect_vreg.gather [hbm4b:s7+s3], $0x80, v3, vm0, $0xb8;
	[tilespmem:$0x1C100] =	vst v63  }
0x6d: {  	_ = 	snop  }
0x6e: {  	[tilespmem:s24], [sflag:$0x2] =	stream.indirect_vreg.gather [hbm4b:s8+s3], $0x80, v3, vm0, $0xb8;
	[tilespmem:$0x1C100] =	vst v63  }
0x6f: {  	v3 =	vld.msk [tilespmem:$0x38], $0xff;
	_ =	sdelay $0x4  }
0x70: {  	v49 =	vshll.u32 v3, $0x3  }
0x71: {  	v3 =	vand.u32 $0x7, v3;
	v4 =	vand.u32 $0xFFFFFFC0, v49  }
0x72: {  	v3 =	vor.u32 v3, v4  }
0x73: {  	v3 =	vperm.xlane v3, v0;
	_ =	sdelay $0x1  }
0x74: {  	v3 =	vadd.s32 v1, v3;
	_ =	sdelay $0x4  }
0x75: {  	[tilespmem:s25], [sflag:$0x2] =	stream.indirect_vreg.gather [hbm4b:s2+s3], $0x80, v3, vm0, $0xb8;
	[tilespmem:$0x1C100] =	vst v63  }
0x76: {  	_ = 	snop  }
0x77: {  	[tilespmem:s17], [sflag:$0x2] =	stream.indirect_vreg.gather [hbm4b:s6+s3], $0x80, v3, vm0, $0xb8;
	[tilespmem:$0x1C100] =	vst v63  }
0x78: {  	_ = 	snop  }
0x79: {  	[tilespmem:s26], [sflag:$0x2] =	stream.indirect_vreg.gather [hbm4b:s7+s3], $0x80, v3, vm0, $0xb8;
	[tilespmem:$0x1C100] =	vst v63  }
0x7a: {  	_ = 	snop  }
0x7b: {  	[tilespmem:s11], [sflag:$0x2] =	stream.indirect_vreg.gather [hbm4b:s8+s3], $0x80, v3, vm0, $0xb8;
	[tilespmem:$0x1C100] =	vst v63  }
0x7c: {  	_ =	swait.ge [sflag:s30], $0x2000  }
0x7d: {  	[sflag:s30] =	ssyncset.done $0x0  }
0x7e: {  	s1 =	rddreg [dreg:$0xc];
	[sflag:s30] =	ssyncadd.s32 $0xFFFFE000  }
0x7f: {  	[hbm4b:s1+s3] =	stream.linear.scatter [tilespmem:s15], [sflag:$0x3], $0x2000, $0x38;
	[tilespmem:$0x1C100] =	vst v63  }
0x80: {  	_ =	swait.ge [sflag:s31], $0x2000  }
0x81: {  	[sflag:s31] =	ssyncset.done $0x0  }
0x82: {  	[sflag:s31] =	ssyncadd.s32 $0xFFFFE000  }
0x83: {  	v3 =	vld [tilespmem:$0x40];
	_ =	sdelay $0x4  }
0x84: {  	v50 =	vshll.u32 v3, $0x3  }
0x85: {  	v3 =	vand.u32 $0x7, v3;
	v4 =	vand.u32 $0xFFFFFFC0, v50  }
0x86: {  	v3 =	vor.u32 v3, v4  }
0x87: {  	v4 =	vperm.xlane v3, v0;
	_ =	sdelay $0x1  }
0x88: {  	v4 =	vadd.s32 v1, v4;
	_ =	sdelay $0x4  }
0x89: {  	[tilespmem:s15], [sflag:$0x1] =	stream.indirect_vreg.gather [hbm4b:s2+s3], $0x80, v4, vm0, $0xb8;
	[tilespmem:$0x1C100] =	vst v63  }
0x8a: {  	s16 =	simm.s32 $0x900;
	v3 =	vperm.xlane v3, v2  }
0x8b: {  	[tilespmem:s16], [sflag:$0x1] =	stream.indirect_vreg.gather [hbm4b:s6+s3], $0x80, v4, vm0, $0xb8;
	[tilespmem:$0x1C100] =	vst v63  }
0x8c: {  	v3 =	vadd.s32 v1, v3;
	s16 =	simm.s32 $0x1100  }
0x8d: {  	[tilespmem:s16], [sflag:$0x1] =	stream.indirect_vreg.gather [hbm4b:s7+s3], $0x80, v4, vm0, $0xb8;
	[tilespmem:$0x1C100] =	vst v63  }
0x8e: {  	s14 =	simm.s32 $0x1900  }
0x8f: {  	[tilespmem:s14], [sflag:$0x1] =	stream.indirect_vreg.gather [hbm4b:s8+s3], $0x80, v4, vm0, $0xb8;
	[tilespmem:$0x1C100] =	vst v63  }
0x90: {  	s14 =	simm.s32 $0x2100  }
0x91: {  	[tilespmem:s14], [sflag:$0x1] =	stream.indirect_vreg.gather [hbm4b:s2+s3], $0x80, v3, vm0, $0xb8;
	[tilespmem:$0x1C100] =	vst v63  }
0x92: {  	s16 =	simm.s32 $0x2900  }
0x93: {  	[tilespmem:s16], [sflag:$0x1] =	stream.indirect_vreg.gather [hbm4b:s6+s3], $0x80, v3, vm0, $0xb8;
	[tilespmem:$0x1C100] =	vst v63  }
0x94: {  	s1 =	simm.s32 $0x3100  }
0x95: {  	[tilespmem:s1], [sflag:$0x1] =	stream.indirect_vreg.gather [hbm4b:s7+s3], $0x80, v3, vm0, $0xb8;
	[tilespmem:$0x1C100] =	vst v63  }
0x96: {  	s1 =	simm.s32 $0x3900  }
0x97: {  	[tilespmem:s1], [sflag:$0x1] =	stream.indirect_vreg.gather [hbm4b:s8+s3], $0x80, v3, vm0, $0xb8;
	[tilespmem:$0x1C100] =	vst v63  }
0x98: {  	v3 =	vld [tilespmem:$0x50];
	_ =	sdelay $0x4  }
0x99: {  	v51 =	vshll.u32 v3, $0x3  }
0x9a: {  	v3 =	vand.u32 $0x7, v3;
	v4 =	vand.u32 $0xFFFFFFC0, v51  }
0x9b: {  	v3 =	vor.u32 v3, v4  }
0x9c: {  	v4 =	vperm.xlane v3, v0;
	_ =	sdelay $0x1  }
0x9d: {  	v4 =	vadd.s32 v1, v4;
	_ =	sdelay $0x3  }
0x9e: {  	s1 =	simm.s32 $0x4100  }
0x9f: {  	[tilespmem:s1], [sflag:$0x1] =	stream.indirect_vreg.gather [hbm4b:s2+s3], $0x80, v4, vm0, $0xb8;
	[tilespmem:$0x1C100] =	vst v63  }
0xa0: {  	v3 =	vperm.xlane v3, v2;
	s1 =	simm.s32 $0x4900  }
0xa1: {  	[tilespmem:s1], [sflag:$0x1] =	stream.indirect_vreg.gather [hbm4b:s6+s3], $0x80, v4, vm0, $0xb8;
	[tilespmem:$0x1C100] =	vst v63  }
0xa2: {  	v3 =	vadd.s32 v1, v3;
	s1 =	simm.s32 $0x5100  }
0xa3: {  	[tilespmem:s1], [sflag:$0x1] =	stream.indirect_vreg.gather [hbm4b:s7+s3], $0x80, v4, vm0, $0xb8;
	[tilespmem:$0x1C100] =	vst v63  }
0xa4: {  	s1 =	simm.s32 $0x5900  }
0xa5: {  	[tilespmem:s1], [sflag:$0x1] =	stream.indirect_vreg.gather [hbm4b:s8+s3], $0x80, v4, vm0, $0xb8;
	[tilespmem:$0x1C100] =	vst v63  }
0xa6: {  	s1 =	simm.s32 $0x6100  }
0xa7: {  	[tilespmem:s1], [sflag:$0x1] =	stream.indirect_vreg.gather [hbm4b:s2+s3], $0x80, v3, vm0, $0xb8;
	[tilespmem:$0x1C100] =	vst v63  }
0xa8: {  	s1 =	simm.s32 $0x6900  }
0xa9: {  	[tilespmem:s1], [sflag:$0x1] =	stream.indirect_vreg.gather [hbm4b:s6+s3], $0x80, v3, vm0, $0xb8;
	[tilespmem:$0x1C100] =	vst v63  }
0xaa: {  	s1 =	simm.s32 $0x7100  }
0xab: {  	[tilespmem:s1], [sflag:$0x1] =	stream.indirect_vreg.gather [hbm4b:s7+s3], $0x80, v3, vm0, $0xb8;
	[tilespmem:$0x1C100] =	vst v63  }
0xac: {  	s1 =	simm.s32 $0x7900  }
0xad: {  	[tilespmem:s1], [sflag:$0x1] =	stream.indirect_vreg.gather [hbm4b:s8+s3], $0x80, v3, vm0, $0xb8;
	[tilespmem:$0x1C100] =	vst v63  }
0xae: {  	v3 =	vld [tilespmem:$0x60];
	_ =	sdelay $0x4  }
0xaf: {  	v52 =	vshll.u32 v3, $0x3  }
0xb0: {  	v3 =	vand.u32 $0x7, v3;
	v4 =	vand.u32 $0xFFFFFFC0, v52  }
0xb1: {  	v3 =	vor.u32 v3, v4  }
0xb2: {  	v4 =	vperm.xlane v3, v0;
	_ =	sdelay $0x1  }
0xb3: {  	v4 =	vadd.s32 v1, v4;
	_ =	sdelay $0x3  }
0xb4: {  	s1 =	simm.s32 $0x8100  }
0xb5: {  	[tilespmem:s1], [sflag:$0x1] =	stream.indirect_vreg.gather [hbm4b:s2+s3], $0x80, v4, vm0, $0xb8;
	[tilespmem:$0x1C100] =	vst v63  }
0xb6: {  	v3 =	vperm.xlane v3, v2;
	s1 =	simm.s32 $0x8900  }
0xb7: {  	[tilespmem:s1], [sflag:$0x1] =	stream.indirect_vreg.gather [hbm4b:s6+s3], $0x80, v4, vm0, $0xb8;
	[tilespmem:$0x1C100] =	vst v63  }
0xb8: {  	v3 =	vadd.s32 v1, v3;
	s1 =	simm.s32 $0x9100  }
0xb9: {  	[tilespmem:s1], [sflag:$0x1] =	stream.indirect_vreg.gather [hbm4b:s7+s3], $0x80, v4, vm0, $0xb8;
	[tilespmem:$0x1C100] =	vst v63  }
0xba: {  	s1 =	simm.s32 $0x9900  }
0xbb: {  	[tilespmem:s1], [sflag:$0x1] =	stream.indirect_vreg.gather [hbm4b:s8+s3], $0x80, v4, vm0, $0xb8;
	[tilespmem:$0x1C100] =	vst v63  }
0xbc: {  	s1 =	simm.s32 $0xA100  }
0xbd: {  	[tilespmem:s1], [sflag:$0x1] =	stream.indirect_vreg.gather [hbm4b:s2+s3], $0x80, v3, vm0, $0xb8;
	[tilespmem:$0x1C100] =	vst v63  }
0xbe: {  	s1 =	simm.s32 $0xA900  }
0xbf: {  	[tilespmem:s1], [sflag:$0x1] =	stream.indirect_vreg.gather [hbm4b:s6+s3], $0x80, v3, vm0, $0xb8;
	[tilespmem:$0x1C100] =	vst v63  }
0xc0: {  	s1 =	simm.s32 $0xB100  }
0xc1: {  	[tilespmem:s1], [sflag:$0x1] =	stream.indirect_vreg.gather [hbm4b:s7+s3], $0x80, v3, vm0, $0xb8;
	[tilespmem:$0x1C100] =	vst v63  }
0xc2: {  	s1 =	simm.s32 $0xB900  }
0xc3: {  	[tilespmem:s1], [sflag:$0x1] =	stream.indirect_vreg.gather [hbm4b:s8+s3], $0x80, v3, vm0, $0xb8;
	[tilespmem:$0x1C100] =	vst v63  }
0xc4: {  	v3 =	vld.msk [tilespmem:$0x70], $0xff;
	_ =	sdelay $0x4  }
0xc5: {  	v53 =	vshll.u32 v3, $0x3  }
0xc6: {  	v3 =	vand.u32 $0x7, v3;
	v4 =	vand.u32 $0xFFFFFFC0, v53  }
0xc7: {  	v3 =	vor.u32 v3, v4  }
0xc8: {  	v3 =	vperm.xlane v3, v0;
	_ =	sdelay $0x1  }
0xc9: {  	v3 =	vadd.s32 v1, v3;
	_ =	sdelay $0x3  }
0xca: {  	s1 =	simm.s32 $0xC100  }
0xcb: {  	[tilespmem:s1], [sflag:$0x1] =	stream.indirect_vreg.gather [hbm4b:s2+s3], $0x80, v3, vm0, $0xb8;
	[tilespmem:$0x1C100] =	vst v63  }
0xcc: {  	s1 =	simm.s32 $0xC900  }
0xcd: {  	[tilespmem:s1], [sflag:$0x1] =	stream.indirect_vreg.gather [hbm4b:s6+s3], $0x80, v3, vm0, $0xb8;
	[tilespmem:$0x1C100] =	vst v63  }
0xce: {  	s1 =	simm.s32 $0xD100  }
0xcf: {  	[tilespmem:s1], [sflag:$0x1] =	stream.indirect_vreg.gather [hbm4b:s7+s3], $0x80, v3, vm0, $0xb8;
	[tilespmem:$0x1C100] =	vst v63  }
0xd0: {  	s1 =	simm.s32 $0xD900  }
0xd1: {  	[tilespmem:s1], [sflag:$0x1] =	stream.indirect_vreg.gather [hbm4b:s8+s3], $0x80, v3, vm0, $0xb8;
	[tilespmem:$0x1C100] =	vst v63  }
0xd2: {  	_ =	swait.ge [sflag:s4], $0xE000  }
0xd3: {  	[sflag:s4] =	ssyncset.done $0x0  }
0xd4: {  	s1 =	rddreg [dreg:$0x5];
	[sflag:s4] =	ssyncadd.s32 $0xFFFF2000  }
0xd5: {  	[hbm4b:s1+s3] =	stream.linear.scatter [tilespmem:s0], [sflag:$0x4], $0xE000, $0x38;
	[tilespmem:$0x1C100] =	vst v63  }
0xd6: {  	_ =	swait.ge [sflag:s28], $0xE000  }
0xd7: {  	[sflag:s28] =	ssyncset.done $0x0  }
0xd8: {  	[sflag:s28] =	ssyncadd.s32 $0xFFFF2000  }
0xd9: {  	v3 =	vld [tilespmem:$0x78];
	_ =	sdelay $0x4  }
0xda: {  	v54 =	vshll.u32 v3, $0x3  }
0xdb: {  	v3 =	vand.u32 $0x7, v3;
	v4 =	vand.u32 $0xFFFFFFC0, v54  }
0xdc: {  	v3 =	vor.u32 v3, v4  }
0xdd: {  	v4 =	vperm.xlane v3, v0;
	_ =	sdelay $0x1  }
0xde: {  	v4 =	vadd.s32 v1, v4;
	_ =	sdelay $0x4  }
0xdf: {  	[tilespmem:s0], [sflag:$0x2] =	stream.indirect_vreg.gather [hbm4b:s2+s3], $0x80, v4, vm0, $0xb8;
	[tilespmem:$0x1C100] =	vst v63  }
0xe0: {  	s1 =	simm.s32 $0xE900;
	v3 =	vperm.xlane v3, v2  }
0xe1: {  	[tilespmem:s1], [sflag:$0x2] =	stream.indirect_vreg.gather [hbm4b:s6+s3], $0x80, v4, vm0, $0xb8;
	[tilespmem:$0x1C100] =	vst v63  }
0xe2: {  	v3 =	vadd.s32 v1, v3;
	s1 =	simm.s32 $0xF100  }
0xe3: {  	[tilespmem:s1], [sflag:$0x2] =	stream.indirect_vreg.gather [hbm4b:s7+s3], $0x80, v4, vm0, $0xb8;
	[tilespmem:$0x1C100] =	vst v63  }
0xe4: {  	s1 =	simm.s32 $0xF900  }
0xe5: {  	[tilespmem:s1], [sflag:$0x2] =	stream.indirect_vreg.gather [hbm4b:s8+s3], $0x80, v4, vm0, $0xb8;
	[tilespmem:$0x1C100] =	vst v63  }
0xe6: {  	s1 =	simm.s32 $0x10100  }
0xe7: {  	[tilespmem:s1], [sflag:$0x2] =	stream.indirect_vreg.gather [hbm4b:s2+s3], $0x80, v3, vm0, $0xb8;
	[tilespmem:$0x1C100] =	vst v63  }
0xe8: {  	s1 =	simm.s32 $0x10900  }
0xe9: {  	[tilespmem:s1], [sflag:$0x2] =	stream.indirect_vreg.gather [hbm4b:s6+s3], $0x80, v3, vm0, $0xb8;
	[tilespmem:$0x1C100] =	vst v63  }
0xea: {  	s1 =	simm.s32 $0x11100  }
0xeb: {  	[tilespmem:s1], [sflag:$0x2] =	stream.indirect_vreg.gather [hbm4b:s7+s3], $0x80, v3, vm0, $0xb8;
	[tilespmem:$0x1C100] =	vst v63  }
0xec: {  	s1 =	simm.s32 $0x11900  }
0xed: {  	[tilespmem:s1], [sflag:$0x2] =	stream.indirect_vreg.gather [hbm4b:s8+s3], $0x80, v3, vm0, $0xb8;
	[tilespmem:$0x1C100] =	vst v63  }
0xee: {  	v3 =	vld [tilespmem:$0x88];
	_ =	sdelay $0x4  }
0xef: {  	v55 =	vshll.u32 v3, $0x3  }
0xf0: {  	v3 =	vand.u32 $0x7, v3;
	v4 =	vand.u32 $0xFFFFFFC0, v55  }
0xf1: {  	v3 =	vor.u32 v3, v4  }
0xf2: {  	v4 =	vperm.xlane v3, v0;
	_ =	sdelay $0x1  }
0xf3: {  	v4 =	vadd.s32 v1, v4;
	_ =	sdelay $0x3  }
0xf4: {  	s1 =	simm.s32 $0x12100  }
0xf5: {  	[tilespmem:s1], [sflag:$0x2] =	stream.indirect_vreg.gather [hbm4b:s2+s3], $0x80, v4, vm0, $0xb8;
	[tilespmem:$0x1C100] =	vst v63  }
0xf6: {  	v3 =	vperm.xlane v3, v2;
	s1 =	simm.s32 $0x12900  }
0xf7: {  	[tilespmem:s1], [sflag:$0x2] =	stream.indirect_vreg.gather [hbm4b:s6+s3], $0x80, v4, vm0, $0xb8;
	[tilespmem:$0x1C100] =	vst v63  }
0xf8: {  	v3 =	vadd.s32 v1, v3;
	s1 =	simm.s32 $0x13100  }
0xf9: {  	[tilespmem:s1], [sflag:$0x2] =	stream.indirect_vreg.gather [hbm4b:s7+s3], $0x80, v4, vm0, $0xb8;
	[tilespmem:$0x1C100] =	vst v63  }
0xfa: {  	s1 =	simm.s32 $0x13900  }
0xfb: {  	[tilespmem:s1], [sflag:$0x2] =	stream.indirect_vreg.gather [hbm4b:s8+s3], $0x80, v4, vm0, $0xb8;
	[tilespmem:$0x1C100] =	vst v63  }
0xfc: {  	_ = 	snop  }
0xfd: {  	[tilespmem:s29], [sflag:$0x2] =	stream.indirect_vreg.gather [hbm4b:s2+s3], $0x80, v3, vm0, $0xb8;
	[tilespmem:$0x1C100] =	vst v63  }
0xfe: {  	_ = 	snop  }
0xff: {  	[tilespmem:s5], [sflag:$0x2] =	stream.indirect_vreg.gather [hbm4b:s6+s3], $0x80, v3, vm0, $0xb8;
	[tilespmem:$0x1C100] =	vst v63  }
0x100: {  	_ = 	snop  }
0x101: {  	[tilespmem:s13], [sflag:$0x2] =	stream.indirect_vreg.gather [hbm4b:s7+s3], $0x80, v3, vm0, $0xb8;
	[tilespmem:$0x1C100] =	vst v63  }
0x102: {  	_ = 	snop  }
0x103: {  	[tilespmem:s12], [sflag:$0x2] =	stream.indirect_vreg.gather [hbm4b:s8+s3], $0x80, v3, vm0, $0xb8;
	[tilespmem:$0x1C100] =	vst v63  }
0x104: {  	v3 =	vld [tilespmem:$0x98];
	_ =	sdelay $0x4  }
0x105: {  	v56 =	vshll.u32 v3, $0x3  }
0x106: {  	v3 =	vand.u32 $0x7, v3;
	v4 =	vand.u32 $0xFFFFFFC0, v56  }
0x107: {  	v3 =	vor.u32 v3, v4  }
0x108: {  	v4 =	vperm.xlane v3, v0;
	_ =	sdelay $0x1  }
0x109: {  	v4 =	vadd.s32 v1, v4;
	_ =	sdelay $0x4  }
0x10a: {  	[tilespmem:s10], [sflag:$0x2] =	stream.indirect_vreg.gather [hbm4b:s2+s3], $0x80, v4, vm0, $0xb8;
	[tilespmem:$0x1C100] =	vst v63  }
0x10b: {  	v3 =	vperm.xlane v3, v2  }
0x10c: {  	[tilespmem:s18], [sflag:$0x2] =	stream.indirect_vreg.gather [hbm4b:s6+s3], $0x80, v4, vm0, $0xb8;
	[tilespmem:$0x1C100] =	vst v63  }
0x10d: {  	v3 =	vadd.s32 v1, v3  }
0x10e: {  	[tilespmem:s19], [sflag:$0x2] =	stream.indirect_vreg.gather [hbm4b:s7+s3], $0x80, v4, vm0, $0xb8;
	[tilespmem:$0x1C100] =	vst v63  }
0x10f: {  	_ = 	snop  }
0x110: {  	[tilespmem:s20], [sflag:$0x2] =	stream.indirect_vreg.gather [hbm4b:s8+s3], $0x80, v4, vm0, $0xb8;
	[tilespmem:$0x1C100] =	vst v63  }
0x111: {  	_ = 	snop  }
0x112: {  	[tilespmem:s21], [sflag:$0x2] =	stream.indirect_vreg.gather [hbm4b:s2+s3], $0x80, v3, vm0, $0xb8;
	[tilespmem:$0x1C100] =	vst v63  }
0x113: {  	_ = 	snop  }
0x114: {  	[tilespmem:s22], [sflag:$0x2] =	stream.indirect_vreg.gather [hbm4b:s6+s3], $0x80, v3, vm0, $0xb8;
	[tilespmem:$0x1C100] =	vst v63  }
0x115: {  	_ = 	snop  }
0x116: {  	[tilespmem:s23], [sflag:$0x2] =	stream.indirect_vreg.gather [hbm4b:s7+s3], $0x80, v3, vm0, $0xb8;
	[tilespmem:$0x1C100] =	vst v63  }
0x117: {  	_ = 	snop  }
0x118: {  	[tilespmem:s24], [sflag:$0x2] =	stream.indirect_vreg.gather [hbm4b:s8+s3], $0x80, v3, vm0, $0xb8;
	[tilespmem:$0x1C100] =	vst v63  }
0x119: {  	v3 =	vld.msk [tilespmem:$0xA8], $0xff;
	_ =	sdelay $0x4  }
0x11a: {  	v57 =	vshll.u32 v3, $0x3  }
0x11b: {  	v3 =	vand.u32 $0x7, v3;
	v4 =	vand.u32 $0xFFFFFFC0, v57  }
0x11c: {  	v3 =	vor.u32 v3, v4  }
0x11d: {  	v3 =	vperm.xlane v3, v0;
	_ =	sdelay $0x1  }
0x11e: {  	v3 =	vadd.s32 v1, v3;
	_ =	sdelay $0x4  }
0x11f: {  	[tilespmem:s25], [sflag:$0x2] =	stream.indirect_vreg.gather [hbm4b:s2+s3], $0x80, v3, vm0, $0xb8;
	[tilespmem:$0x1C100] =	vst v63  }
0x120: {  	_ = 	snop  }
0x121: {  	[tilespmem:s17], [sflag:$0x2] =	stream.indirect_vreg.gather [hbm4b:s6+s3], $0x80, v3, vm0, $0xb8;
	[tilespmem:$0x1C100] =	vst v63  }
0x122: {  	_ = 	snop  }
0x123: {  	[tilespmem:s26], [sflag:$0x2] =	stream.indirect_vreg.gather [hbm4b:s7+s3], $0x80, v3, vm0, $0xb8;
	[tilespmem:$0x1C100] =	vst v63  }
0x124: {  	_ = 	snop  }
0x125: {  	[tilespmem:s11], [sflag:$0x2] =	stream.indirect_vreg.gather [hbm4b:s8+s3], $0x80, v3, vm0, $0xb8;
	[tilespmem:$0x1C100] =	vst v63  }
0x126: {  	_ =	swait.ge [sflag:s30], $0xE000  }
0x127: {  	[sflag:s30] =	ssyncset.done $0x0  }
0x128: {  	s5 =	rddreg [dreg:$0x6];
	[sflag:s30] =	ssyncadd.s32 $0xFFFF2000  }
0x129: {  	[hbm4b:s5+s3] =	stream.linear.scatter [tilespmem:s15], [sflag:$0x3], $0xE000, $0x38;
	[tilespmem:$0x1C100] =	vst v63  }
0x12a: {  	_ =	swait.ge [sflag:s31], $0xE000  }
0x12b: {  	[sflag:s31] =	ssyncset.done $0x0  }
0x12c: {  	[sflag:s31] =	ssyncadd.s32 $0xFFFF2000  }
0x12d: {  	v3 =	vld [tilespmem:$0xB0];
	_ =	sdelay $0x4  }
0x12e: {  	v58 =	vshll.u32 v3, $0x3  }
0x12f: {  	v3 =	vand.u32 $0x7, v3;
	v4 =	vand.u32 $0xFFFFFFC0, v58  }
0x130: {  	v3 =	vor.u32 v3, v4  }
0x131: {  	v4 =	vperm.xlane v3, v0;
	_ =	sdelay $0x1  }
0x132: {  	v4 =	vadd.s32 v1, v4;
	_ =	sdelay $0x4  }
0x133: {  	[tilespmem:s15], [sflag:$0x1] =	stream.indirect_vreg.gather [hbm4b:s2+s3], $0x80, v4, vm0, $0xb8;
	[tilespmem:$0x1C100] =	vst v63  }
0x134: {  	s29 =	simm.s32 $0x900;
	v3 =	vperm.xlane v3, v2  }
0x135: {  	[tilespmem:s29], [sflag:$0x1] =	stream.indirect_vreg.gather [hbm4b:s6+s3], $0x80, v4, vm0, $0xb8;
	[tilespmem:$0x1C100] =	vst v63  }
0x136: {  	s5 =	simm.s32 $0x1100;
	v3 =	vadd.s32 v1, v3  }
0x137: {  	[tilespmem:s5], [sflag:$0x1] =	stream.indirect_vreg.gather [hbm4b:s7+s3], $0x80, v4, vm0, $0xb8;
	[tilespmem:$0x1C100] =	vst v63  }
0x138: {  	s29 =	simm.s32 $0x1900  }
0x139: {  	[tilespmem:s29], [sflag:$0x1] =	stream.indirect_vreg.gather [hbm4b:s8+s3], $0x80, v4, vm0, $0xb8;
	[tilespmem:$0x1C100] =	vst v63  }
0x13a: {  	_ = 	snop  }
0x13b: {  	[tilespmem:s14], [sflag:$0x1] =	stream.indirect_vreg.gather [hbm4b:s2+s3], $0x80, v3, vm0, $0xb8;
	[tilespmem:$0x1C100] =	vst v63  }
0x13c: {  	_ = 	snop  }
0x13d: {  	[tilespmem:s16], [sflag:$0x1] =	stream.indirect_vreg.gather [hbm4b:s6+s3], $0x80, v3, vm0, $0xb8;
	[tilespmem:$0x1C100] =	vst v63  }
0x13e: {  	s5 =	simm.s32 $0x3100  }
0x13f: {  	[tilespmem:s5], [sflag:$0x1] =	stream.indirect_vreg.gather [hbm4b:s7+s3], $0x80, v3, vm0, $0xb8;
	[tilespmem:$0x1C100] =	vst v63  }
0x140: {  	s14 =	simm.s32 $0x3900  }
0x141: {  	[tilespmem:s14], [sflag:$0x1] =	stream.indirect_vreg.gather [hbm4b:s8+s3], $0x80, v3, vm0, $0xb8;
	[tilespmem:$0x1C100] =	vst v63  }
0x142: {  	v3 =	vld [tilespmem:$0xC0];
	_ =	sdelay $0x4  }
0x143: {  	v59 =	vshll.u32 v3, $0x3  }
0x144: {  	v3 =	vand.u32 $0x7, v3;
	v4 =	vand.u32 $0xFFFFFFC0, v59  }
0x145: {  	v3 =	vor.u32 v3, v4  }
0x146: {  	v4 =	vperm.xlane v3, v0;
	_ =	sdelay $0x1  }
0x147: {  	v4 =	vadd.s32 v1, v4;
	_ =	sdelay $0x3  }
0x148: {  	s16 =	simm.s32 $0x4100  }
0x149: {  	[tilespmem:s16], [sflag:$0x1] =	stream.indirect_vreg.gather [hbm4b:s2+s3], $0x80, v4, vm0, $0xb8;
	[tilespmem:$0x1C100] =	vst v63  }
0x14a: {  	s29 =	simm.s32 $0x4900;
	v3 =	vperm.xlane v3, v2  }
0x14b: {  	[tilespmem:s29], [sflag:$0x1] =	stream.indirect_vreg.gather [hbm4b:s6+s3], $0x80, v4, vm0, $0xb8;
	[tilespmem:$0x1C100] =	vst v63  }
0x14c: {  	s5 =	simm.s32 $0x5100;
	v3 =	vadd.s32 v1, v3  }
0x14d: {  	[tilespmem:s5], [sflag:$0x1] =	stream.indirect_vreg.gather [hbm4b:s7+s3], $0x80, v4, vm0, $0xb8;
	[tilespmem:$0x1C100] =	vst v63  }
0x14e: {  	s14 =	simm.s32 $0x5900  }
0x14f: {  	[tilespmem:s14], [sflag:$0x1] =	stream.indirect_vreg.gather [hbm4b:s8+s3], $0x80, v4, vm0, $0xb8;
	[tilespmem:$0x1C100] =	vst v63  }
0x150: {  	s16 =	simm.s32 $0x6100  }
0x151: {  	[tilespmem:s16], [sflag:$0x1] =	stream.indirect_vreg.gather [hbm4b:s2+s3], $0x80, v3, vm0, $0xb8;
	[tilespmem:$0x1C100] =	vst v63  }
0x152: {  	s29 =	simm.s32 $0x6900  }
0x153: {  	[tilespmem:s29], [sflag:$0x1] =	stream.indirect_vreg.gather [hbm4b:s6+s3], $0x80, v3, vm0, $0xb8;
	[tilespmem:$0x1C100] =	vst v63  }
0x154: {  	s5 =	simm.s32 $0x7100  }
0x155: {  	[tilespmem:s5], [sflag:$0x1] =	stream.indirect_vreg.gather [hbm4b:s7+s3], $0x80, v3, vm0, $0xb8;
	[tilespmem:$0x1C100] =	vst v63  }
0x156: {  	s14 =	simm.s32 $0x7900  }
0x157: {  	[tilespmem:s14], [sflag:$0x1] =	stream.indirect_vreg.gather [hbm4b:s8+s3], $0x80, v3, vm0, $0xb8;
	[tilespmem:$0x1C100] =	vst v63  }
0x158: {  	v3 =	vld [tilespmem:$0xD0];
	_ =	sdelay $0x4  }
0x159: {  	v60 =	vshll.u32 v3, $0x3  }
0x15a: {  	v3 =	vand.u32 $0x7, v3;
	v4 =	vand.u32 $0xFFFFFFC0, v60  }
0x15b: {  	v3 =	vor.u32 v3, v4  }
0x15c: {  	v4 =	vperm.xlane v3, v0;
	_ =	sdelay $0x1  }
0x15d: {  	v4 =	vadd.s32 v1, v4;
	_ =	sdelay $0x3  }
0x15e: {  	s16 =	simm.s32 $0x8100  }
0x15f: {  	[tilespmem:s16], [sflag:$0x1] =	stream.indirect_vreg.gather [hbm4b:s2+s3], $0x80, v4, vm0, $0xb8;
	[tilespmem:$0x1C100] =	vst v63  }
0x160: {  	s29 =	simm.s32 $0x8900;
	v3 =	vperm.xlane v3, v2  }
0x161: {  	[tilespmem:s29], [sflag:$0x1] =	stream.indirect_vreg.gather [hbm4b:s6+s3], $0x80, v4, vm0, $0xb8;
	[tilespmem:$0x1C100] =	vst v63  }
0x162: {  	s5 =	simm.s32 $0x9100;
	v3 =	vadd.s32 v1, v3  }
0x163: {  	[tilespmem:s5], [sflag:$0x1] =	stream.indirect_vreg.gather [hbm4b:s7+s3], $0x80, v4, vm0, $0xb8;
	[tilespmem:$0x1C100] =	vst v63  }
0x164: {  	s14 =	simm.s32 $0x9900  }
0x165: {  	[tilespmem:s14], [sflag:$0x1] =	stream.indirect_vreg.gather [hbm4b:s8+s3], $0x80, v4, vm0, $0xb8;
	[tilespmem:$0x1C100] =	vst v63  }
0x166: {  	s16 =	simm.s32 $0xA100  }
0x167: {  	[tilespmem:s16], [sflag:$0x1] =	stream.indirect_vreg.gather [hbm4b:s2+s3], $0x80, v3, vm0, $0xb8;
	[tilespmem:$0x1C100] =	vst v63  }
0x168: {  	s29 =	simm.s32 $0xA900  }
0x169: {  	[tilespmem:s29], [sflag:$0x1] =	stream.indirect_vreg.gather [hbm4b:s6+s3], $0x80, v3, vm0, $0xb8;
	[tilespmem:$0x1C100] =	vst v63  }
0x16a: {  	s5 =	simm.s32 $0xB100  }
0x16b: {  	[tilespmem:s5], [sflag:$0x1] =	stream.indirect_vreg.gather [hbm4b:s7+s3], $0x80, v3, vm0, $0xb8;
	[tilespmem:$0x1C100] =	vst v63  }
0x16c: {  	s14 =	simm.s32 $0xB900  }
0x16d: {  	[tilespmem:s14], [sflag:$0x1] =	stream.indirect_vreg.gather [hbm4b:s8+s3], $0x80, v3, vm0, $0xb8;
	[tilespmem:$0x1C100] =	vst v63  }
0x16e: {  	v3 =	vld.msk [tilespmem:$0xE0], $0xff;
	_ =	sdelay $0x4  }
0x16f: {  	v61 =	vshll.u32 v3, $0x3  }
0x170: {  	v3 =	vand.u32 $0x7, v3;
	v4 =	vand.u32 $0xFFFFFFC0, v61  }
0x171: {  	v3 =	vor.u32 v3, v4  }
0x172: {  	v3 =	vperm.xlane v3, v0;
	_ =	sdelay $0x1  }
0x173: {  	v3 =	vadd.s32 v1, v3;
	_ =	sdelay $0x3  }
0x174: {  	s16 =	simm.s32 $0xC100  }
0x175: {  	[tilespmem:s16], [sflag:$0x1] =	stream.indirect_vreg.gather [hbm4b:s2+s3], $0x80, v3, vm0, $0xb8;
	[tilespmem:$0x1C100] =	vst v63  }
0x176: {  	s29 =	simm.s32 $0xC900  }
0x177: {  	[tilespmem:s29], [sflag:$0x1] =	stream.indirect_vreg.gather [hbm4b:s6+s3], $0x80, v3, vm0, $0xb8;
	[tilespmem:$0x1C100] =	vst v63  }
0x178: {  	s5 =	simm.s32 $0xD100  }
0x179: {  	[tilespmem:s5], [sflag:$0x1] =	stream.indirect_vreg.gather [hbm4b:s7+s3], $0x80, v3, vm0, $0xb8;
	[tilespmem:$0x1C100] =	vst v63  }
0x17a: {  	s14 =	simm.s32 $0xD900  }
0x17b: {  	[tilespmem:s14], [sflag:$0x1] =	stream.indirect_vreg.gather [hbm4b:s8+s3], $0x80, v3, vm0, $0xb8;
	[tilespmem:$0x1C100] =	vst v63  }
0x17c: {  	_ =	swait.ge [sflag:s4], $0xE000  }
0x17d: {  	[sflag:s4] =	ssyncset.done $0x0  }
0x17e: {  	s16 =	rddreg [dreg:$0x7];
	[sflag:s4] =	ssyncadd.s32 $0xFFFF2000  }
0x17f: {  	[hbm4b:s16+s3] =	stream.linear.scatter [tilespmem:s0], [sflag:$0x4], $0xE000, $0x38;
	[tilespmem:$0x1C100] =	vst v63  }
0x180: {  	_ =	swait.ge [sflag:s28], $0xE000  }
0x181: {  	[sflag:s28] =	ssyncset.done $0x0  }
0x182: {  	[sflag:s28] =	ssyncadd.s32 $0xFFFF2000  }
0x183: {  	v3 =	vld [tilespmem:$0xE8];
	_ =	sdelay $0x4  }
0x184: {  	v62 =	vshll.u32 v3, $0x3  }
0x185: {  	v3 =	vand.u32 $0x7, v3;
	v4 =	vand.u32 $0xFFFFFFC0, v62  }
0x186: {  	v3 =	vor.u32 v3, v4  }
0x187: {  	v4 =	vperm.xlane v3, v0;
	_ =	sdelay $0x1  }
0x188: {  	v4 =	vadd.s32 v1, v4;
	_ =	sdelay $0x4  }
0x189: {  	[tilespmem:s0], [sflag:$0x2] =	stream.indirect_vreg.gather [hbm4b:s2+s3], $0x80, v4, vm0, $0xb8;
	[tilespmem:$0x1C100] =	vst v63  }
0x18a: {  	s29 =	simm.s32 $0xE900;
	v3 =	vperm.xlane v3, v2  }
0x18b: {  	[tilespmem:s29], [sflag:$0x2] =	stream.indirect_vreg.gather [hbm4b:s6+s3], $0x80, v4, vm0, $0xb8;
	[tilespmem:$0x1C100] =	vst v63  }
0x18c: {  	s5 =	simm.s32 $0xF100;
	v3 =	vadd.s32 v1, v3  }
0x18d: {  	[tilespmem:s5], [sflag:$0x2] =	stream.indirect_vreg.gather [hbm4b:s7+s3], $0x80, v4, vm0, $0xb8;
	[tilespmem:$0x1C100] =	vst v63  }
0x18e: {  	s14 =	simm.s32 $0xF900  }
0x18f: {  	[tilespmem:s14], [sflag:$0x2] =	stream.indirect_vreg.gather [hbm4b:s8+s3], $0x80, v4, vm0, $0xb8;
	[tilespmem:$0x1C100] =	vst v63  }
0x190: {  	s16 =	simm.s32 $0x10100  }
0x191: {  	[tilespmem:s16], [sflag:$0x2] =	stream.indirect_vreg.gather [hbm4b:s2+s3], $0x80, v3, vm0, $0xb8;
	[tilespmem:$0x1C100] =	vst v63  }
0x192: {  	s29 =	simm.s32 $0x10900  }
0x193: {  	[tilespmem:s29], [sflag:$0x2] =	stream.indirect_vreg.gather [hbm4b:s6+s3], $0x80, v3, vm0, $0xb8;
	[tilespmem:$0x1C100] =	vst v63  }
0x194: {  	s5 =	simm.s32 $0x11100  }
0x195: {  	[tilespmem:s5], [sflag:$0x2] =	stream.indirect_vreg.gather [hbm4b:s7+s3], $0x80, v3, vm0, $0xb8;
	[tilespmem:$0x1C100] =	vst v63  }
0x196: {  	s14 =	simm.s32 $0x11900  }
0x197: {  	[tilespmem:s14], [sflag:$0x2] =	stream.indirect_vreg.gather [hbm4b:s8+s3], $0x80, v3, vm0, $0xb8;
	[tilespmem:$0x1C100] =	vst v63  }
0x198: {  	v3 =	vld.msk [tilespmem:$0xF8], $0xff;
	_ =	sdelay $0x4  }
0x199: {  	v63 =	vshll.u32 v3, $0x3  }
0x19a: {  	v3 =	vand.u32 $0x7, v3;
	v4 =	vand.u32 $0xFFFFFFC0, v63  }
0x19b: {  	v3 =	vor.u32 v3, v4  }
0x19c: {  	v3 =	vperm.xlane v3, v0;
	_ =	sdelay $0x1  }
0x19d: {  	v3 =	vadd.s32 v1, v3;
	_ =	sdelay $0x3  }
0x19e: {  	s16 =	simm.s32 $0x12100  }
0x19f: {  	[tilespmem:s16], [sflag:$0x2] =	stream.indirect_vreg.gather [hbm4b:s2+s3], $0x80, v3, vm0, $0xb8;
	[tilespmem:$0x1C100] =	vst v63  }
0x1a0: {  	s29 =	simm.s32 $0x12900  }
0x1a1: {  	[tilespmem:s29], [sflag:$0x2] =	stream.indirect_vreg.gather [hbm4b:s6+s3], $0x80, v3, vm0, $0xb8;
	[tilespmem:$0x1C100] =	vst v63  }
0x1a2: {  	s5 =	simm.s32 $0x13100  }
0x1a3: {  	[tilespmem:s5], [sflag:$0x2] =	stream.indirect_vreg.gather [hbm4b:s7+s3], $0x80, v3, vm0, $0xb8;
	[tilespmem:$0x1C100] =	vst v63  }
0x1a4: {  	s14 =	simm.s32 $0x13900  }
0x1a5: {  	[tilespmem:s14], [sflag:$0x2] =	stream.indirect_vreg.gather [hbm4b:s8+s3], $0x80, v3, vm0, $0xb8;
	[tilespmem:$0x1C100] =	vst v63  }
0x1a6: {  	_ =	swait.ge [sflag:s30], $0xE000  }
0x1a7: {  	[sflag:s30] =	ssyncset.done $0x0  }
0x1a8: {  	s16 =	rddreg [dreg:$0x8];
	[sflag:s30] =	ssyncadd.s32 $0xFFFF2000  }
0x1a9: {  	[hbm4b:s16+s3] =	stream.linear.scatter [tilespmem:s15], [sflag:$0x3], $0xE000, $0x38;
	[tilespmem:$0x1C100] =	vst v63  }
0x1aa: {  	_ =	swait.ge [sflag:s4], $0x6000  }
0x1ab: {  	[sflag:s4] =	ssyncset.done $0x0  }
0x1ac: {  	s29 =	rddreg [dreg:$0x9];
	[sflag:s4] =	ssyncadd.s32 $0xFFFFA000  }
0x1ad: {  	[hbm4b:s29+s3] =	stream.linear.scatter [tilespmem:s0], [sflag:$0x4], $0x6000, $0x38;
	[tilespmem:$0x1C100] =	vst v63  }
0x1ae: {  	p0 =	sne.s32 s9, $0x1;
	_ =	swait.ge [sflag:s31], $0xE000  }
.Ltmp0:
0x1af: {  	[sflag:s31] =	ssyncset.done $0x0;
	(pc) =	sbr.rel @p0 .LBB2_1-.Ltmp0, $4  }
0x1b0: {  	[sflag:s31] =	ssyncadd.s32 $0xFFFF2000  }
0x1b1: {  	_ =	swait.ge [sflag:s28], $0x6000  }
0x1b2: {  	[sflag:s28] =	ssyncset.done $0x0  }
0x1b3: {  	s9 =	sadd.s32 $0xFFFFFFFF, s9;
	[sflag:s28] =	ssyncadd.s32 $0xFFFFA000  }
0x1b4: {  	_ =	sfence.sel $0x180000  }
0x1b5: {  	[bflag:$0x0] =	sbarrier.arrive $0xFFFF  }
0x1b6: {  	_ =	strace $0x90000047  }
0x1b7: {  	s0 =	stileid.u32;
	[bflag:$0x2] =	sbarrier.arrive $0xFFFF  }
0x1b8: {  	p0 =	sne.s32 s0, $0x0;
	s0 =	rddreg [dreg:$0x3]  }
0x1b9: {  	s0 =	sadd.s32 @!p0 $0x100000, s0  }
0x1ba: {  	[sflag:s0] =	ssyncadd.tile.s32 @!p0 $0x1;
	_ =	shalt  }
.Lfunc_end2:
_tile_overlayer_lowered:
.L_overlay_start_2:
0x1bb: {  	(tag) =	ssettag $0x2  }
0x1bc: {  	s0 =	rddreg [dreg:$0x0];
	s2 =	stileid.u32  }
0x1bd: {  	s1 =	rddreg [dreg:$0x1];
	p0 =	sne.s32 s2, $0x0  }
0x1be: {  	s3 =	rddreg [dreg:$0x2];
	[bflag:$0x3] =	sbarrier.arrive $0xFFFF;
	s2 =	simm.s32 @!p0 $0x1C05  }
0x1bf: {  	[timem:s3], [sflag:s2] =	dma.local @!p0 [hbm:s0], s1  }
0x1c0: {  	s0 =	simm.s32 @!p0 $0x5  }
0x1c1: {  	_ =	swait.ge @!p0 [sflag:s0], s1  }
0x1c2: {  	s1 =	ssub.s32 @!p0 $0x0, s1;
	[sflag:s0] =	ssyncset.done @!p0 $0x0  }
0x1c3: {  	[sflag:s0] =	ssyncadd.s32 @!p0 s1  }
0x1c4: {  	[bflag:$0x3] =	sbarrier.arrive $0xFFFF  }
0x1c5: {  	_ =	shalt  }

</sc_bundles>
